<compile_context>
chip_gen: v7x
topology: tpu7x:2x2x1
jax: 0.10.2.dev20260603
libtpu: 0.0.44.dev20260713+nightly
codegen_flags: <defaults>
</compile_context>

<pallas_src>
import functools

import jax
import jax.numpy as jnp
from jax import lax
from jax.experimental import pallas as pl
from jax.experimental.pallas import tpu as pltpu
from jax.experimental.pallas import tpu_sc as plsc

_MESH = plsc.VectorSubcoreMesh(core_axis_name="c", subcore_axis_name="s")
_F32 = jnp.float32


def _embed_call(table, fidx, n):
    per_w = n // 32
    sub = per_w // 2

    @functools.partial(
        pl.kernel,
        out_type=jax.ShapeDtypeStruct((n, 64), _F32),
        mesh=_MESH,
        compiler_params=pltpu.CompilerParams(use_tc_tiling_on_sc=False),
        scratch_types=[
            pltpu.VMEM((sub,), jnp.int32),
            pltpu.VMEM((sub, 64), _F32),
            pltpu.SemaphoreType.DMA,
        ],
    )
    def body(table_hbm, fidx_hbm, out_hbm, idx_v, rows_v, sem):
        cid = lax.axis_index("c")
        sid = lax.axis_index("s")
        base = (sid * 2 + cid) * per_w
        for j in range(2):
            b = base + j * sub
            pltpu.sync_copy(fidx_hbm.at[pl.ds(b, sub)], idx_v)
            pltpu.async_copy(table_hbm.at[idx_v], rows_v, sem).wait()
            pltpu.sync_copy(rows_v, out_hbm.at[pl.ds(b, sub)])

    return body(table, fidx)


def _agg_call(hview, src4, dst, n):
    e = src4.shape[1]
    per_s = e // 16
    csz = 2048
    nsub = per_s // csz
    rslice = n // 16

    @functools.partial(
        pl.kernel,
        out_type=jax.ShapeDtypeStruct((n, 64), _F32),
        mesh=_MESH,
        compiler_params=pltpu.CompilerParams(use_tc_tiling_on_sc=False),
        scratch_types=[
            pltpu.VMEM_SHARED((n, 16), _F32),
            pltpu.VMEM((512, 16), _F32),
            pltpu.VMEM((csz,), jnp.int32),
            pltpu.VMEM((csz,), jnp.int32),
            pltpu.VMEM((csz, 16), _F32),
            pltpu.SemaphoreType.DMA,
        ],
    )
    def body(hview_hbm, src4_hbm, dst_hbm, out_hbm,
             acc, zbuf, srcbuf, dstbuf, rows, sem):
        cid = lax.axis_index("c")
        sid = lax.axis_index("s")

        def zinit(i, carry):
            zbuf[i, :] = jnp.zeros((16,), _F32)
            return carry

        lax.fori_loop(0, 512, zinit, 0)

        for p in range(2):
            c = 2 * p
            for j in range(rslice // 512):
                pltpu.sync_copy(zbuf, acc.at[pl.ds(sid * rslice + j * 512, 512)])
            plsc.subcore_barrier()

            def step(s, carry):
                e0 = sid * per_s + s * csz
                pltpu.sync_copy(src4_hbm.at[c + cid, pl.ds(e0, csz)], srcbuf)
                pltpu.sync_copy(dst_hbm.at[pl.ds(e0, csz)], dstbuf)
                pltpu.async_copy(hview_hbm.at[srcbuf], rows, sem).wait()
                pltpu.sync_copy(rows, acc.at[dstbuf], add=True)
                return carry

            lax.fori_loop(0, nsub, step, 0)
            plsc.subcore_barrier()
            pltpu.sync_copy(
                acc.at[pl.ds(sid * rslice, rslice)],
                out_hbm.at[pl.ds(sid * rslice, rslice),
                           pl.ds(16 * (c + cid), 16)])
            plsc.subcore_barrier()

    return body(hview, src4, dst)


def _dense_body(h_ref, a_ref, ep_ref, wa_ref, ba_ref, g_ref, be_ref,
                wb_ref, bb_ref, o_ref, *, readout):
    z = ep_ref[0, 0] * h_ref[...] + a_ref[...]
    z = jnp.dot(z, wa_ref[...], preferred_element_type=_F32,
                precision=lax.Precision.HIGHEST) + ba_ref[...]
    mu = jnp.mean(z, axis=-1, keepdims=True)
    zc = z - mu
    var = jnp.mean(zc * zc, axis=-1, keepdims=True)
    z = zc * lax.rsqrt(var + 1e-5) * g_ref[...] + be_ref[...]
    z = jnp.maximum(z, 0.0)
    z = jnp.dot(z, wb_ref[...], preferred_element_type=_F32,
                precision=lax.Precision.HIGHEST) + bb_ref[...]
    if readout:
        bn = z.shape[0]
        o_ref[...] = jnp.sum(z.reshape(bn // 32, 32, 64), axis=1)
    else:
        o_ref[...] = z


def _dense_call(h, agg, epsp, wa, ba, g, be, wb, bb, *, readout):
    n = h.shape[0]
    bn = 2048
    grid = (n // bn,)
    row_spec = pl.BlockSpec((bn, 64), lambda i: (i, 0))
    fix = lambda shape: pl.BlockSpec(shape, lambda i: (0, 0))
    if readout:
        out_shape = jax.ShapeDtypeStruct((n // 32, 64), _F32)
        out_spec = pl.BlockSpec((bn // 32, 64), lambda i: (i, 0))
    else:
        out_shape = jax.ShapeDtypeStruct((n, 64), _F32)
        out_spec = row_spec
    return pl.pallas_call(
        functools.partial(_dense_body, readout=readout),
        grid=grid,
        in_specs=[row_spec, row_spec, fix((1, 1)), fix((64, 64)), fix((1, 64)),
                  fix((1, 64)), fix((1, 64)), fix((64, 64)), fix((1, 64))],
        out_specs=out_spec,
        out_shape=out_shape,
    )(h, agg, epsp, wa, ba, g, be, wb, bb)


def kernel(x, edge_index, los, table, eps1, w1a, b1a, g1, be1, w1b, b1b,
           eps2, w2a, b2a, g2, be2, w2b, b2b):
    batch, n_cols = x.shape
    card = table.shape[0] // n_cols
    n = batch * n_cols
    e = edge_index.shape[1]

    offsets = (jnp.arange(n_cols, dtype=x.dtype) * card)[None, :]
    fidx = (x + offsets).reshape(-1)
    src = edge_index[0]
    dst = edge_index[1]
    src4 = src[None, :] * 4 + jnp.arange(4, dtype=jnp.int32)[:, None]

    r = lambda v: v.reshape(1, 64)
    ep1 = (1.0 + eps1).reshape(1, 1).astype(_F32)
    ep2 = (1.0 + eps2).reshape(1, 1).astype(_F32)

    h = _embed_call(table, fidx, n)
    agg = _agg_call(h.reshape(4 * n, 16), src4, dst, n)
    h = _dense_call(h, agg, ep1, w1a, r(b1a), r(g1), r(be1), w1b, r(b1b),
                    readout=False)
    agg = _agg_call(h.reshape(4 * n, 16), src4, dst, n)
    return _dense_call(h, agg, ep2, w2a, r(b2a), r(g2), r(be2), w2b, r(b2b),
                       readout=True)

# --- scband reference (transcript-rebuilt; emitter-appended) ---
"""Pipeline reference for scband-ctmp-gin-53008486367430 (READ-ONLY COPY).

The authoritative reference and input builder live on the scoring server;
editing this copy changes nothing except your own understanding.
"""

import jax, jax.numpy as jnp
import numpy as np


def setup_inputs(seed: int = 0) -> dict:
    key = jax.random.key(seed)
    ks = jax.random.split(key, 24)
    batch, n_cols, card, d = 1024, 64, 50, 64
    num_nodes = n_cols // 2
    N = batch * 2 * num_nodes  # 65536 flattened nodes
    E = 1048576
    x = jax.random.randint(ks[0], (batch, n_cols), 0, card, dtype=jnp.int32)
    edge_index = jax.random.randint(ks[1], (2, E), 0, N, dtype=jnp.int32)
    los = jax.random.randint(ks[2], (E,), 0, 37, dtype=jnp.int32)
    table = jax.random.normal(ks[3], (n_cols * card, d), dtype=jnp.float32) * 0.02

    def lin(k, i, o):
        return jax.random.normal(k, (i, o), dtype=jnp.float32) * (1.0 / np.sqrt(i))

    inp = {
        "x": x,
        "edge_index": edge_index,
        "los": los,
        "table": table,
        "eps1": jnp.zeros((), jnp.float32),
        "w1a": lin(ks[4], d, d),
        "b1a": jnp.zeros((d,), jnp.float32),
        "g1": jnp.ones((d,), jnp.float32),
        "be1": jnp.zeros((d,), jnp.float32),
        "w1b": lin(ks[5], d, d),
        "b1b": jnp.zeros((d,), jnp.float32),
        "eps2": jnp.zeros((), jnp.float32),
        "w2a": lin(ks[6], d, d),
        "b2a": jnp.zeros((d,), jnp.float32),
        "g2": jnp.ones((d,), jnp.float32),
        "be2": jnp.zeros((d,), jnp.float32),
        "w2b": lin(ks[7], d, d),
        "b2b": jnp.zeros((d,), jnp.float32),
    }
    return inp


def _gin_layer(h, src, dst, eps, wa, ba, g, be, wb, bb):
    # GINConv: nn((1+eps)*x + sum_{j in N(i)} x_j)
    agg = jnp.zeros_like(h).at[dst].add(h[src])
    z = (1.0 + eps) * h + agg
    z = z @ wa + ba
    mu = jnp.mean(z, axis=-1, keepdims=True)
    var = jnp.var(z, axis=-1, keepdims=True)
    z = (z - mu) / jnp.sqrt(var + 1e-5) * g + be
    z = jax.nn.relu(z)
    return z @ wb + bb


def reference(x, edge_index, los, table, eps1, w1a, b1a, g1, be1, w1b, b1b, eps2, w2a, b2a, g2, be2, w2b, b2b):
    batch, n_cols = x.shape
    card = table.shape[0] // n_cols
    d = table.shape[1]
    num_nodes = n_cols // 2
    # per-column entity embedding lookup (EntityEmbeddingBatch3)
    offsets = (jnp.arange(n_cols, dtype=x.dtype) * card)[None, :]
    emb = jnp.take(table, (x + offsets).reshape(-1), axis=0)  # [B*n_cols, d]
    # seperate_x: first num_nodes cols -> admission graph, last num_nodes -> discharge graph
    # stacking [B,2,num_nodes,d] then flattening == direct reshape (contiguous layout)
    h = emb.reshape(batch * 2 * num_nodes, d)
    src = edge_index[0]
    dst = edge_index[1]
    h = _gin_layer(h, src, dst, eps1, w1a, b1a, g1, be1, w1b, b1b)
    h = _gin_layer(h, src, dst, eps2, w2a, b2a, g2, be2, w2b, b2b)
    x_graph = h.reshape(batch * 2, num_nodes, d)
    x_sum = jnp.sum(x_graph, axis=1)  # graph readout
    return x_sum

if __name__ == "__main__":
    import jax
    _d = setup_inputs()
    print(jax.jit(kernel)(*tuple(_d.values())))

</pallas_src>

<mosaic_0001>
#map = affine_map<(d0, d1) -> (0, 0)>
#map1 = affine_map<(d0, d1) -> (0)>
module attributes {stable_mosaic.version = 14 : i64} {
  func.func @body(%arg0: i32, %arg1: i32, %arg2: memref<262144x16xf32, #tpu.memory_space<hbm>>, %arg3: memref<4x1048576xi32, #tpu.memory_space<hbm>>, %arg4: memref<1048576xi32, #tpu.memory_space<hbm>>, %arg5: memref<65536x64xf32, #tpu.memory_space<hbm>>, %arg6: memref<65536x16xf32, #tpu.memory_space<vmem_shared>>, %arg7: memref<512x16xf32, #tpu.memory_space<vmem>>, %arg8: memref<2048xi32, #tpu.memory_space<vmem>>, %arg9: memref<2048xi32, #tpu.memory_space<vmem>>, %arg10: memref<2048x16xf32, #tpu.memory_space<vmem>>, %arg11: memref<!tpu.dma_semaphore, #tpu.memory_space<semaphore_mem>>) attributes {dimension_semantics = [#tpu.dimension_semantics<core_parallel>, #tpu.dimension_semantics<subcore_parallel>], iteration_bounds = array<i64: 2, 16>, scalar_prefetch = 0 : i64, scratch_operands = 6 : i64, tpu.core_type = #tpu.core_type<sc_vector_subcore>, window_params = [{transform_indices = #map}, {transform_indices = #map}, {transform_indices = #map1}, {transform_indices = #map}]} {
    %scan3A = arith.constant 0 : i32
    %scan3A_0 = arith.constant 0 : i32
    %scan3A_1 = arith.constant 512 : i32
    %scan3A_2 = arith.addi %scan3A_0, %scan3A_1 : i32
    %scan3A_3 = arith.constant 1 : i32
    scf.for %scan3A_100 = %scan3A_0 to %scan3A_2 step %scan3A_3  : i32 {
      %broadcast_in_dim3A = arith.constant 0.000000e+00 : f32
      %broadcast_in_dim3A_101 = vector.broadcast %broadcast_in_dim3A : f32 to vector<16xf32>
      %swap3A = arith.index_cast %scan3A_100 : i32 to index
      %swap3A_102 = arith.constant 0 : index
      %swap3A_103 = tpu.vector_load %arg7[%swap3A, %swap3A_102] {strides = array<i32>} : memref<512x16xf32, #tpu.memory_space<vmem>>, vector<1x16xf32>,
      %swap3A_104 = vector.shape_cast %swap3A_103 : vector<1x16xf32> to vector<16xf32>
      %swap3A_105 = vector.shape_cast %broadcast_in_dim3A_101 : vector<16xf32> to vector<1x16xf32>
      tpu.vector_store %arg7[%swap3A, %swap3A_102], %swap3A_105 {strides = array<i32>} : memref<512x16xf32, #tpu.memory_space<vmem>>, vector<1x16xf32>,
    }
    %scan3A_4 = arith.constant 512 : i32
    %mul3A = arith.constant 4096 : i32
    %mul3A_5 = arith.muli %arg1, %mul3A : i32
    %add3A = arith.constant 0 : i32
    %add3A_6 = arith.addi %mul3A_5, %add3A : i32
    "tpu.region"() ({
      %run_scoped3A = tpu.sem_alloc : memref<!tpu.dma_semaphore, #tpu.memory_space<semaphore_mem>>
      %dma_start3A = arith.constant 0 : i32
      %dma_start3A_100 = tpu.memref_slice %arg6[%add3A_6, %dma_start3A] : memref<65536x16xf32, #tpu.memory_space<vmem_shared>> -> memref<512x16xf32, #tpu.memory_space<vmem_shared>>
      %dma_start3A_101 = arith.constant 0 : i32
      %dma_start3A_102 = tpu.memref_slice %arg6[%add3A_6, %dma_start3A_101] : memref<65536x16xf32, #tpu.memory_space<vmem_shared>> -> memref<512x16xf32, #tpu.memory_space<vmem_shared>>
      tpu.enqueue_dma source(%arg7 : memref<512x16xf32, #tpu.memory_space<vmem>>) target(%dma_start3A_102 : memref<512x16xf32, #tpu.memory_space<vmem_shared>>) target_semaphore(%run_scoped3A : memref<!tpu.dma_semaphore, #tpu.memory_space<semaphore_mem>>)
      %dma_wait3A = arith.constant 0 : i32
      %dma_wait3A_103 = tpu.memref_slice %arg6[%add3A_6, %dma_wait3A] : memref<65536x16xf32, #tpu.memory_space<vmem_shared>> -> memref<512x16xf32, #tpu.memory_space<vmem_shared>>
      %dma_wait3A_104 = arith.constant 0 : i32
      %dma_wait3A_105 = tpu.memref_slice %arg6[%add3A_6, %dma_wait3A_104] : memref<65536x16xf32, #tpu.memory_space<vmem_shared>> -> memref<512x16xf32, #tpu.memory_space<vmem_shared>>
      tpu.wait_dma2 semaphore(%run_scoped3A : memref<!tpu.dma_semaphore, #tpu.memory_space<semaphore_mem>>) src(%arg7 : memref<512x16xf32, #tpu.memory_space<vmem>>) dst(%dma_wait3A_105 : memref<512x16xf32, #tpu.memory_space<vmem_shared>>)
      tpu.yield
    }) : () -> ()
    %mul3A_7 = arith.constant 4096 : i32
    %mul3A_8 = arith.muli %arg1, %mul3A_7 : i32
    %add3A_9 = arith.constant 512 : i32
    %add3A_10 = arith.addi %mul3A_8, %add3A_9 : i32
    "tpu.region"() ({
      %run_scoped3A = tpu.sem_alloc : memref<!tpu.dma_semaphore, #tpu.memory_space<semaphore_mem>>
      %dma_start3A = arith.constant 0 : i32
      %dma_start3A_100 = tpu.memref_slice %arg6[%add3A_10, %dma_start3A] : memref<65536x16xf32, #tpu.memory_space<vmem_shared>> -> memref<512x16xf32, #tpu.memory_space<vmem_shared>>
      %dma_start3A_101 = arith.constant 0 : i32
      %dma_start3A_102 = tpu.memref_slice %arg6[%add3A_10, %dma_start3A_101] : memref<65536x16xf32, #tpu.memory_space<vmem_shared>> -> memref<512x16xf32, #tpu.memory_space<vmem_shared>>
      tpu.enqueue_dma source(%arg7 : memref<512x16xf32, #tpu.memory_space<vmem>>) target(%dma_start3A_102 : memref<512x16xf32, #tpu.memory_space<vmem_shared>>) target_semaphore(%run_scoped3A : memref<!tpu.dma_semaphore, #tpu.memory_space<semaphore_mem>>)
      %dma_wait3A = arith.constant 0 : i32
      %dma_wait3A_103 = tpu.memref_slice %arg6[%add3A_10, %dma_wait3A] : memref<65536x16xf32, #tpu.memory_space<vmem_shared>> -> memref<512x16xf32, #tpu.memory_space<vmem_shared>>
      %dma_wait3A_104 = arith.constant 0 : i32
      %dma_wait3A_105 = tpu.memref_slice %arg6[%add3A_10, %dma_wait3A_104] : memref<65536x16xf32, #tpu.memory_space<vmem_shared>> -> memref<512x16xf32, #tpu.memory_space<vmem_shared>>
      tpu.wait_dma2 semaphore(%run_scoped3A : memref<!tpu.dma_semaphore, #tpu.memory_space<semaphore_mem>>) src(%arg7 : memref<512x16xf32, #tpu.memory_space<vmem>>) dst(%dma_wait3A_105 : memref<512x16xf32, #tpu.memory_space<vmem_shared>>)
      tpu.yield
    }) : () -> ()
    %mul3A_11 = arith.constant 4096 : i32
    %mul3A_12 = arith.muli %arg1, %mul3A_11 : i32
    %add3A_13 = arith.constant 1024 : i32
    %add3A_14 = arith.addi %mul3A_12, %add3A_13 : i32
    "tpu.region"() ({
      %run_scoped3A = tpu.sem_alloc : memref<!tpu.dma_semaphore, #tpu.memory_space<semaphore_mem>>
      %dma_start3A = arith.constant 0 : i32
      %dma_start3A_100 = tpu.memref_slice %arg6[%add3A_14, %dma_start3A] : memref<65536x16xf32, #tpu.memory_space<vmem_shared>> -> memref<512x16xf32, #tpu.memory_space<vmem_shared>>
      %dma_start3A_101 = arith.constant 0 : i32
      %dma_start3A_102 = tpu.memref_slice %arg6[%add3A_14, %dma_start3A_101] : memref<65536x16xf32, #tpu.memory_space<vmem_shared>> -> memref<512x16xf32, #tpu.memory_space<vmem_shared>>
      tpu.enqueue_dma source(%arg7 : memref<512x16xf32, #tpu.memory_space<vmem>>) target(%dma_start3A_102 : memref<512x16xf32, #tpu.memory_space<vmem_shared>>) target_semaphore(%run_scoped3A : memref<!tpu.dma_semaphore, #tpu.memory_space<semaphore_mem>>)
      %dma_wait3A = arith.constant 0 : i32
      %dma_wait3A_103 = tpu.memref_slice %arg6[%add3A_14, %dma_wait3A] : memref<65536x16xf32, #tpu.memory_space<vmem_shared>> -> memref<512x16xf32, #tpu.memory_space<vmem_shared>>
      %dma_wait3A_104 = arith.constant 0 : i32
      %dma_wait3A_105 = tpu.memref_slice %arg6[%add3A_14, %dma_wait3A_104] : memref<65536x16xf32, #tpu.memory_space<vmem_shared>> -> memref<512x16xf32, #tpu.memory_space<vmem_shared>>
      tpu.wait_dma2 semaphore(%run_scoped3A : memref<!tpu.dma_semaphore, #tpu.memory_space<semaphore_mem>>) src(%arg7 : memref<512x16xf32, #tpu.memory_space<vmem>>) dst(%dma_wait3A_105 : memref<512x16xf32, #tpu.memory_space<vmem_shared>>)
      tpu.yield
    }) : () -> ()
    %mul3A_15 = arith.constant 4096 : i32
    %mul3A_16 = arith.muli %arg1, %mul3A_15 : i32
    %add3A_17 = arith.constant 1536 : i32
    %add3A_18 = arith.addi %mul3A_16, %add3A_17 : i32
    "tpu.region"() ({
      %run_scoped3A = tpu.sem_alloc : memref<!tpu.dma_semaphore, #tpu.memory_space<semaphore_mem>>
      %dma_start3A = arith.constant 0 : i32
      %dma_start3A_100 = tpu.memref_slice %arg6[%add3A_18, %dma_start3A] : memref<65536x16xf32, #tpu.memory_space<vmem_shared>> -> memref<512x16xf32, #tpu.memory_space<vmem_shared>>
      %dma_start3A_101 = arith.constant 0 : i32
      %dma_start3A_102 = tpu.memref_slice %arg6[%add3A_18, %dma_start3A_101] : memref<65536x16xf32, #tpu.memory_space<vmem_shared>> -> memref<512x16xf32, #tpu.memory_space<vmem_shared>>
      tpu.enqueue_dma source(%arg7 : memref<512x16xf32, #tpu.memory_space<vmem>>) target(%dma_start3A_102 : memref<512x16xf32, #tpu.memory_space<vmem_shared>>) target_semaphore(%run_scoped3A : memref<!tpu.dma_semaphore, #tpu.memory_space<semaphore_mem>>)
      %dma_wait3A = arith.constant 0 : i32
      %dma_wait3A_103 = tpu.memref_slice %arg6[%add3A_18, %dma_wait3A] : memref<65536x16xf32, #tpu.memory_space<vmem_shared>> -> memref<512x16xf32, #tpu.memory_space<vmem_shared>>
      %dma_wait3A_104 = arith.constant 0 : i32
      %dma_wait3A_105 = tpu.memref_slice %arg6[%add3A_18, %dma_wait3A_104] : memref<65536x16xf32, #tpu.memory_space<vmem_shared>> -> memref<512x16xf32, #tpu.memory_space<vmem_shared>>
      tpu.wait_dma2 semaphore(%run_scoped3A : memref<!tpu.dma_semaphore, #tpu.memory_space<semaphore_mem>>) src(%arg7 : memref<512x16xf32, #tpu.memory_space<vmem>>) dst(%dma_wait3A_105 : memref<512x16xf32, #tpu.memory_space<vmem_shared>>)
      tpu.yield
    }) : () -> ()
    %mul3A_19 = arith.constant 4096 : i32
    %mul3A_20 = arith.muli %arg1, %mul3A_19 : i32
    %add3A_21 = arith.constant 2048 : i32
    %add3A_22 = arith.addi %mul3A_20, %add3A_21 : i32
    "tpu.region"() ({
      %run_scoped3A = tpu.sem_alloc : memref<!tpu.dma_semaphore, #tpu.memory_space<semaphore_mem>>
      %dma_start3A = arith.constant 0 : i32
      %dma_start3A_100 = tpu.memref_slice %arg6[%add3A_22, %dma_start3A] : memref<65536x16xf32, #tpu.memory_space<vmem_shared>> -> memref<512x16xf32, #tpu.memory_space<vmem_shared>>
      %dma_start3A_101 = arith.constant 0 : i32
      %dma_start3A_102 = tpu.memref_slice %arg6[%add3A_22, %dma_start3A_101] : memref<65536x16xf32, #tpu.memory_space<vmem_shared>> -> memref<512x16xf32, #tpu.memory_space<vmem_shared>>
      tpu.enqueue_dma source(%arg7 : memref<512x16xf32, #tpu.memory_space<vmem>>) target(%dma_start3A_102 : memref<512x16xf32, #tpu.memory_space<vmem_shared>>) target_semaphore(%run_scoped3A : memref<!tpu.dma_semaphore, #tpu.memory_space<semaphore_mem>>)
      %dma_wait3A = arith.constant 0 : i32
      %dma_wait3A_103 = tpu.memref_slice %arg6[%add3A_22, %dma_wait3A] : memref<65536x16xf32, #tpu.memory_space<vmem_shared>> -> memref<512x16xf32, #tpu.memory_space<vmem_shared>>
      %dma_wait3A_104 = arith.constant 0 : i32
      %dma_wait3A_105 = tpu.memref_slice %arg6[%add3A_22, %dma_wait3A_104] : memref<65536x16xf32, #tpu.memory_space<vmem_shared>> -> memref<512x16xf32, #tpu.memory_space<vmem_shared>>
      tpu.wait_dma2 semaphore(%run_scoped3A : memref<!tpu.dma_semaphore, #tpu.memory_space<semaphore_mem>>) src(%arg7 : memref<512x16xf32, #tpu.memory_space<vmem>>) dst(%dma_wait3A_105 : memref<512x16xf32, #tpu.memory_space<vmem_shared>>)
      tpu.yield
    }) : () -> ()
    %mul3A_23 = arith.constant 4096 : i32
    %mul3A_24 = arith.muli %arg1, %mul3A_23 : i32
    %add3A_25 = arith.constant 2560 : i32
    %add3A_26 = arith.addi %mul3A_24, %add3A_25 : i32
    "tpu.region"() ({
      %run_scoped3A = tpu.sem_alloc : memref<!tpu.dma_semaphore, #tpu.memory_space<semaphore_mem>>
      %dma_start3A = arith.constant 0 : i32
      %dma_start3A_100 = tpu.memref_slice %arg6[%add3A_26, %dma_start3A] : memref<65536x16xf32, #tpu.memory_space<vmem_shared>> -> memref<512x16xf32, #tpu.memory_space<vmem_shared>>
      %dma_start3A_101 = arith.constant 0 : i32
      %dma_start3A_102 = tpu.memref_slice %arg6[%add3A_26, %dma_start3A_101] : memref<65536x16xf32, #tpu.memory_space<vmem_shared>> -> memref<512x16xf32, #tpu.memory_space<vmem_shared>>
      tpu.enqueue_dma source(%arg7 : memref<512x16xf32, #tpu.memory_space<vmem>>) target(%dma_start3A_102 : memref<512x16xf32, #tpu.memory_space<vmem_shared>>) target_semaphore(%run_scoped3A : memref<!tpu.dma_semaphore, #tpu.memory_space<semaphore_mem>>)
      %dma_wait3A = arith.constant 0 : i32
      %dma_wait3A_103 = tpu.memref_slice %arg6[%add3A_26, %dma_wait3A] : memref<65536x16xf32, #tpu.memory_space<vmem_shared>> -> memref<512x16xf32, #tpu.memory_space<vmem_shared>>
      %dma_wait3A_104 = arith.constant 0 : i32
      %dma_wait3A_105 = tpu.memref_slice %arg6[%add3A_26, %dma_wait3A_104] : memref<65536x16xf32, #tpu.memory_space<vmem_shared>> -> memref<512x16xf32, #tpu.memory_space<vmem_shared>>
      tpu.wait_dma2 semaphore(%run_scoped3A : memref<!tpu.dma_semaphore, #tpu.memory_space<semaphore_mem>>) src(%arg7 : memref<512x16xf32, #tpu.memory_space<vmem>>) dst(%dma_wait3A_105 : memref<512x16xf32, #tpu.memory_space<vmem_shared>>)
      tpu.yield
    }) : () -> ()
    %mul3A_27 = arith.constant 4096 : i32
    %mul3A_28 = arith.muli %arg1, %mul3A_27 : i32
    %add3A_29 = arith.constant 3072 : i32
    %add3A_30 = arith.addi %mul3A_28, %add3A_29 : i32
    "tpu.region"() ({
      %run_scoped3A = tpu.sem_alloc : memref<!tpu.dma_semaphore, #tpu.memory_space<semaphore_mem>>
      %dma_start3A = arith.constant 0 : i32
      %dma_start3A_100 = tpu.memref_slice %arg6[%add3A_30, %dma_start3A] : memref<65536x16xf32, #tpu.memory_space<vmem_shared>> -> memref<512x16xf32, #tpu.memory_space<vmem_shared>>
      %dma_start3A_101 = arith.constant 0 : i32
      %dma_start3A_102 = tpu.memref_slice %arg6[%add3A_30, %dma_start3A_101] : memref<65536x16xf32, #tpu.memory_space<vmem_shared>> -> memref<512x16xf32, #tpu.memory_space<vmem_shared>>
      tpu.enqueue_dma source(%arg7 : memref<512x16xf32, #tpu.memory_space<vmem>>) target(%dma_start3A_102 : memref<512x16xf32, #tpu.memory_space<vmem_shared>>) target_semaphore(%run_scoped3A : memref<!tpu.dma_semaphore, #tpu.memory_space<semaphore_mem>>)
      %dma_wait3A = arith.constant 0 : i32
      %dma_wait3A_103 = tpu.memref_slice %arg6[%add3A_30, %dma_wait3A] : memref<65536x16xf32, #tpu.memory_space<vmem_shared>> -> memref<512x16xf32, #tpu.memory_space<vmem_shared>>
      %dma_wait3A_104 = arith.constant 0 : i32
      %dma_wait3A_105 = tpu.memref_slice %arg6[%add3A_30, %dma_wait3A_104] : memref<65536x16xf32, #tpu.memory_space<vmem_shared>> -> memref<512x16xf32, #tpu.memory_space<vmem_shared>>
      tpu.wait_dma2 semaphore(%run_scoped3A : memref<!tpu.dma_semaphore, #tpu.memory_space<semaphore_mem>>) src(%arg7 : memref<512x16xf32, #tpu.memory_space<vmem>>) dst(%dma_wait3A_105 : memref<512x16xf32, #tpu.memory_space<vmem_shared>>)
      tpu.yield
    }) : () -> ()
    %mul3A_31 = arith.constant 4096 : i32
    %mul3A_32 = arith.muli %arg1, %mul3A_31 : i32
    %add3A_33 = arith.constant 3584 : i32
    %add3A_34 = arith.addi %mul3A_32, %add3A_33 : i32
    "tpu.region"() ({
      %run_scoped3A = tpu.sem_alloc : memref<!tpu.dma_semaphore, #tpu.memory_space<semaphore_mem>>
      %dma_start3A = arith.constant 0 : i32
      %dma_start3A_100 = tpu.memref_slice %arg6[%add3A_34, %dma_start3A] : memref<65536x16xf32, #tpu.memory_space<vmem_shared>> -> memref<512x16xf32, #tpu.memory_space<vmem_shared>>
      %dma_start3A_101 = arith.constant 0 : i32
      %dma_start3A_102 = tpu.memref_slice %arg6[%add3A_34, %dma_start3A_101] : memref<65536x16xf32, #tpu.memory_space<vmem_shared>> -> memref<512x16xf32, #tpu.memory_space<vmem_shared>>
      tpu.enqueue_dma source(%arg7 : memref<512x16xf32, #tpu.memory_space<vmem>>) target(%dma_start3A_102 : memref<512x16xf32, #tpu.memory_space<vmem_shared>>) target_semaphore(%run_scoped3A : memref<!tpu.dma_semaphore, #tpu.memory_space<semaphore_mem>>)
      %dma_wait3A = arith.constant 0 : i32
      %dma_wait3A_103 = tpu.memref_slice %arg6[%add3A_34, %dma_wait3A] : memref<65536x16xf32, #tpu.memory_space<vmem_shared>> -> memref<512x16xf32, #tpu.memory_space<vmem_shared>>
      %dma_wait3A_104 = arith.constant 0 : i32
      %dma_wait3A_105 = tpu.memref_slice %arg6[%add3A_34, %dma_wait3A_104] : memref<65536x16xf32, #tpu.memory_space<vmem_shared>> -> memref<512x16xf32, #tpu.memory_space<vmem_shared>>
      tpu.wait_dma2 semaphore(%run_scoped3A : memref<!tpu.dma_semaphore, #tpu.memory_space<semaphore_mem>>) src(%arg7 : memref<512x16xf32, #tpu.memory_space<vmem>>) dst(%dma_wait3A_105 : memref<512x16xf32, #tpu.memory_space<vmem_shared>>)
      tpu.yield
    }) : () -> ()
    %barrier3A = arith.constant 0 : index
    tpu.barrier barrier_id(%barrier3A)
    %scan3A_35 = arith.constant 0 : i32
    %scan3A_36 = arith.constant 0 : i32
    %scan3A_37 = arith.constant 32 : i32
    %scan3A_38 = arith.addi %scan3A_36, %scan3A_37 : i32
    %scan3A_39 = arith.constant 1 : i32
    scf.for %scan3A_100 = %scan3A_36 to %scan3A_38 step %scan3A_39  : i32 {
      %mul3A_101 = arith.constant 65536 : i32
      %mul3A_102 = arith.muli %arg1, %mul3A_101 : i32
      %mul3A_103 = arith.constant 2048 : i32
      %mul3A_104 = arith.muli %scan3A_100, %mul3A_103 : i32
      %add3A_105 = arith.addi %mul3A_102, %mul3A_104 : i32
      %add3A_106 = arith.constant 0 : i32
      %add3A_107 = arith.addi %add3A_106, %arg0 : i32
      "tpu.region"() ({
        %run_scoped3A = tpu.sem_alloc : memref<!tpu.dma_semaphore, #tpu.memory_space<semaphore_mem>>
        %dma_start3A_112 = tpu.memref_slice %arg3[%add3A_107, %add3A_105] : memref<4x1048576xi32, #tpu.memory_space<hbm>> -> memref<1x2048xi32, #tpu.memory_space<hbm>>
        %dma_start3A_113 = tpu.memref_squeeze %dma_start3A_112 : memref<1x2048xi32, #tpu.memory_space<hbm>> -> memref<2048xi32, #tpu.memory_space<hbm>>
        %dma_start3A_114 = tpu.memref_slice %arg3[%add3A_107, %add3A_105] : memref<4x1048576xi32, #tpu.memory_space<hbm>> -> memref<1x2048xi32, #tpu.memory_space<hbm>>
        %dma_start3A_115 = tpu.memref_squeeze %dma_start3A_114 : memref<1x2048xi32, #tpu.memory_space<hbm>> -> memref<2048xi32, #tpu.memory_space<hbm>>
        tpu.enqueue_dma source(%dma_start3A_115 : memref<2048xi32, #tpu.memory_space<hbm>>) target(%arg8 : memref<2048xi32, #tpu.memory_space<vmem>>) target_semaphore(%run_scoped3A : memref<!tpu.dma_semaphore, #tpu.memory_space<semaphore_mem>>)
        %dma_wait3A_116 = tpu.memref_slice %arg3[%add3A_107, %add3A_105] : memref<4x1048576xi32, #tpu.memory_space<hbm>> -> memref<1x2048xi32, #tpu.memory_space<hbm>>
        %dma_wait3A_117 = tpu.memref_squeeze %dma_wait3A_116 : memref<1x2048xi32, #tpu.memory_space<hbm>> -> memref<2048xi32, #tpu.memory_space<hbm>>
        %dma_wait3A_118 = tpu.memref_slice %arg3[%add3A_107, %add3A_105] : memref<4x1048576xi32, #tpu.memory_space<hbm>> -> memref<1x2048xi32, #tpu.memory_space<hbm>>
        %dma_wait3A_119 = tpu.memref_squeeze %dma_wait3A_118 : memref<1x2048xi32, #tpu.memory_space<hbm>> -> memref<2048xi32, #tpu.memory_space<hbm>>
        tpu.wait_dma2 semaphore(%run_scoped3A : memref<!tpu.dma_semaphore, #tpu.memory_space<semaphore_mem>>) src(%dma_wait3A_119 : memref<2048xi32, #tpu.memory_space<hbm>>) dst(%arg8 : memref<2048xi32, #tpu.memory_space<vmem>>)
        tpu.yield
      }) : () -> ()
      "tpu.region"() ({
        %run_scoped3A = tpu.sem_alloc : memref<!tpu.dma_semaphore, #tpu.memory_space<semaphore_mem>>
        %dma_start3A_112 = tpu.memref_slice %arg4[%add3A_105] : memref<1048576xi32, #tpu.memory_space<hbm>> -> memref<2048xi32, #tpu.memory_space<hbm>>
        %dma_start3A_113 = tpu.memref_slice %arg4[%add3A_105] : memref<1048576xi32, #tpu.memory_space<hbm>> -> memref<2048xi32, #tpu.memory_space<hbm>>
        tpu.enqueue_dma source(%dma_start3A_113 : memref<2048xi32, #tpu.memory_space<hbm>>) target(%arg9 : memref<2048xi32, #tpu.memory_space<vmem>>) target_semaphore(%run_scoped3A : memref<!tpu.dma_semaphore, #tpu.memory_space<semaphore_mem>>)
        %dma_wait3A_114 = tpu.memref_slice %arg4[%add3A_105] : memref<1048576xi32, #tpu.memory_space<hbm>> -> memref<2048xi32, #tpu.memory_space<hbm>>
        %dma_wait3A_115 = tpu.memref_slice %arg4[%add3A_105] : memref<1048576xi32, #tpu.memory_space<hbm>> -> memref<2048xi32, #tpu.memory_space<hbm>>
        tpu.wait_dma2 semaphore(%run_scoped3A : memref<!tpu.dma_semaphore, #tpu.memory_space<semaphore_mem>>) src(%dma_wait3A_115 : memref<2048xi32, #tpu.memory_space<hbm>>) dst(%arg9 : memref<2048xi32, #tpu.memory_space<vmem>>)
        tpu.yield
      }) : () -> ()
      %dma_start3A = arith.constant 0 : i32
      %dma_start3A_108 = arith.constant 0 : i32
      %dma_start3A_109 = tpu.memref_slice %arg2[%dma_start3A, %dma_start3A_108] : memref<262144x16xf32, #tpu.memory_space<hbm>> -> memref<262144x16xf32, #tpu.memory_space<hbm>>
      tpu.enqueue_indirect_dma source(%dma_start3A_109 : memref<262144x16xf32, #tpu.memory_space<hbm>>) target(%arg10 : memref<2048x16xf32, #tpu.memory_space<vmem>>) offsets(%arg8 : memref<2048xi32, #tpu.memory_space<vmem>>) semaphore(%arg11 : memref<!tpu.dma_semaphore, #tpu.memory_space<semaphore_mem>>)
      %dma_wait3A = arith.constant 0 : i32
      %dma_wait3A_110 = arith.constant 0 : i32
      %dma_wait3A_111 = tpu.memref_slice %arg2[%dma_wait3A, %dma_wait3A_110] : memref<262144x16xf32, #tpu.memory_space<hbm>> -> memref<262144x16xf32, #tpu.memory_space<hbm>>
      tpu.wait_indirect_dma semaphore(%arg11 : memref<!tpu.dma_semaphore, #tpu.memory_space<semaphore_mem>>) src(%dma_wait3A_111 : memref<262144x16xf32, #tpu.memory_space<hbm>>) dst(%arg10 : memref<2048x16xf32, #tpu.memory_space<vmem>>)
      "tpu.region"() ({
        %run_scoped3A = tpu.sem_alloc : memref<!tpu.dma_semaphore, #tpu.memory_space<semaphore_mem>>
        %dma_start3A_112 = arith.constant 0 : i32
        %dma_start3A_113 = arith.constant 0 : i32
        %dma_start3A_114 = tpu.memref_slice %arg6[%dma_start3A_112, %dma_start3A_113] : memref<65536x16xf32, #tpu.memory_space<vmem_shared>> -> memref<65536x16xf32, #tpu.memory_space<vmem_shared>>
        tpu.enqueue_indirect_dma source(%arg10 : memref<2048x16xf32, #tpu.memory_space<vmem>>) target(%dma_start3A_114 : memref<65536x16xf32, #tpu.memory_space<vmem_shared>>) offsets(%arg9 : memref<2048xi32, #tpu.memory_space<vmem>>) semaphore(%run_scoped3A : memref<!tpu.dma_semaphore, #tpu.memory_space<semaphore_mem>>) {add = true}
        %dma_wait3A_115 = arith.constant 0 : i32
        %dma_wait3A_116 = arith.constant 0 : i32
        %dma_wait3A_117 = tpu.memref_slice %arg6[%dma_wait3A_115, %dma_wait3A_116] : memref<65536x16xf32, #tpu.memory_space<vmem_shared>> -> memref<65536x16xf32, #tpu.memory_space<vmem_shared>>
        tpu.wait_indirect_dma semaphore(%run_scoped3A : memref<!tpu.dma_semaphore, #tpu.memory_space<semaphore_mem>>) src(%arg10 : memref<2048x16xf32, #tpu.memory_space<vmem>>) dst(%dma_wait3A_117 : memref<65536x16xf32, #tpu.memory_space<vmem_shared>>)
        tpu.yield
      }) : () -> ()
    }
    %scan3A_40 = arith.constant 32 : i32
    %barrier3A_41 = arith.constant 0 : index
    tpu.barrier barrier_id(%barrier3A_41)
    %mul3A_42 = arith.constant 4096 : i32
    %mul3A_43 = arith.muli %arg1, %mul3A_42 : i32
    %mul3A_44 = arith.constant 4096 : i32
    %mul3A_45 = arith.muli %arg1, %mul3A_44 : i32
    %add3A_46 = arith.constant 0 : i32
    %add3A_47 = arith.addi %add3A_46, %arg0 : i32
    %mul3A_48 = arith.constant 16 : i32
    %mul3A_49 = arith.muli %mul3A_48, %add3A_47 : i32
    "tpu.region"() ({
      %run_scoped3A = tpu.sem_alloc : memref<!tpu.dma_semaphore, #tpu.memory_space<semaphore_mem>>
      %dma_start3A = tpu.memref_slice %arg5[%mul3A_45, %mul3A_49] : memref<65536x64xf32, #tpu.memory_space<hbm>> -> memref<4096x16xf32, #tpu.memory_space<hbm>>
      %dma_start3A_100 = arith.constant 0 : i32
      %dma_start3A_101 = tpu.memref_slice %arg6[%mul3A_43, %dma_start3A_100] : memref<65536x16xf32, #tpu.memory_space<vmem_shared>> -> memref<4096x16xf32, #tpu.memory_space<vmem_shared>>
      tpu.enqueue_dma source(%dma_start3A_101 : memref<4096x16xf32, #tpu.memory_space<vmem_shared>>) target(%dma_start3A : memref<4096x16xf32, #tpu.memory_space<hbm>>) target_semaphore(%run_scoped3A : memref<!tpu.dma_semaphore, #tpu.memory_space<semaphore_mem>>)
      %dma_wait3A = tpu.memref_slice %arg5[%mul3A_45, %mul3A_49] : memref<65536x64xf32, #tpu.memory_space<hbm>> -> memref<4096x16xf32, #tpu.memory_space<hbm>>
      %dma_wait3A_102 = arith.constant 0 : i32
      %dma_wait3A_103 = tpu.memref_slice %arg6[%mul3A_43, %dma_wait3A_102] : memref<65536x16xf32, #tpu.memory_space<vmem_shared>> -> memref<4096x16xf32, #tpu.memory_space<vmem_shared>>
      tpu.wait_dma2 semaphore(%run_scoped3A : memref<!tpu.dma_semaphore, #tpu.memory_space<semaphore_mem>>) src(%dma_wait3A_103 : memref<4096x16xf32, #tpu.memory_space<vmem_shared>>) dst(%dma_wait3A : memref<4096x16xf32, #tpu.memory_space<hbm>>)
      tpu.yield
    }) : () -> ()
    %barrier3A_50 = arith.constant 0 : index
    tpu.barrier barrier_id(%barrier3A_50)
    %mul3A_51 = arith.constant 4096 : i32
    %mul3A_52 = arith.muli %arg1, %mul3A_51 : i32
    %add3A_53 = arith.constant 0 : i32
    %add3A_54 = arith.addi %mul3A_52, %add3A_53 : i32
    "tpu.region"() ({
      %run_scoped3A = tpu.sem_alloc : memref<!tpu.dma_semaphore, #tpu.memory_space<semaphore_mem>>
      %dma_start3A = arith.constant 0 : i32
      %dma_start3A_100 = tpu.memref_slice %arg6[%add3A_54, %dma_start3A] : memref<65536x16xf32, #tpu.memory_space<vmem_shared>> -> memref<512x16xf32, #tpu.memory_space<vmem_shared>>
      %dma_start3A_101 = arith.constant 0 : i32
      %dma_start3A_102 = tpu.memref_slice %arg6[%add3A_54, %dma_start3A_101] : memref<65536x16xf32, #tpu.memory_space<vmem_shared>> -> memref<512x16xf32, #tpu.memory_space<vmem_shared>>
      tpu.enqueue_dma source(%arg7 : memref<512x16xf32, #tpu.memory_space<vmem>>) target(%dma_start3A_102 : memref<512x16xf32, #tpu.memory_space<vmem_shared>>) target_semaphore(%run_scoped3A : memref<!tpu.dma_semaphore, #tpu.memory_space<semaphore_mem>>)
      %dma_wait3A = arith.constant 0 : i32
      %dma_wait3A_103 = tpu.memref_slice %arg6[%add3A_54, %dma_wait3A] : memref<65536x16xf32, #tpu.memory_space<vmem_shared>> -> memref<512x16xf32, #tpu.memory_space<vmem_shared>>
      %dma_wait3A_104 = arith.constant 0 : i32
      %dma_wait3A_105 = tpu.memref_slice %arg6[%add3A_54, %dma_wait3A_104] : memref<65536x16xf32, #tpu.memory_space<vmem_shared>> -> memref<512x16xf32, #tpu.memory_space<vmem_shared>>
      tpu.wait_dma2 semaphore(%run_scoped3A : memref<!tpu.dma_semaphore, #tpu.memory_space<semaphore_mem>>) src(%arg7 : memref<512x16xf32, #tpu.memory_space<vmem>>) dst(%dma_wait3A_105 : memref<512x16xf32, #tpu.memory_space<vmem_shared>>)
      tpu.yield
    }) : () -> ()
    %mul3A_55 = arith.constant 4096 : i32
    %mul3A_56 = arith.muli %arg1, %mul3A_55 : i32
    %add3A_57 = arith.constant 512 : i32
    %add3A_58 = arith.addi %mul3A_56, %add3A_57 : i32
    "tpu.region"() ({
      %run_scoped3A = tpu.sem_alloc : memref<!tpu.dma_semaphore, #tpu.memory_space<semaphore_mem>>
      %dma_start3A = arith.constant 0 : i32
      %dma_start3A_100 = tpu.memref_slice %arg6[%add3A_58, %dma_start3A] : memref<65536x16xf32, #tpu.memory_space<vmem_shared>> -> memref<512x16xf32, #tpu.memory_space<vmem_shared>>
      %dma_start3A_101 = arith.constant 0 : i32
      %dma_start3A_102 = tpu.memref_slice %arg6[%add3A_58, %dma_start3A_101] : memref<65536x16xf32, #tpu.memory_space<vmem_shared>> -> memref<512x16xf32, #tpu.memory_space<vmem_shared>>
      tpu.enqueue_dma source(%arg7 : memref<512x16xf32, #tpu.memory_space<vmem>>) target(%dma_start3A_102 : memref<512x16xf32, #tpu.memory_space<vmem_shared>>) target_semaphore(%run_scoped3A : memref<!tpu.dma_semaphore, #tpu.memory_space<semaphore_mem>>)
      %dma_wait3A = arith.constant 0 : i32
      %dma_wait3A_103 = tpu.memref_slice %arg6[%add3A_58, %dma_wait3A] : memref<65536x16xf32, #tpu.memory_space<vmem_shared>> -> memref<512x16xf32, #tpu.memory_space<vmem_shared>>
      %dma_wait3A_104 = arith.constant 0 : i32
      %dma_wait3A_105 = tpu.memref_slice %arg6[%add3A_58, %dma_wait3A_104] : memref<65536x16xf32, #tpu.memory_space<vmem_shared>> -> memref<512x16xf32, #tpu.memory_space<vmem_shared>>
      tpu.wait_dma2 semaphore(%run_scoped3A : memref<!tpu.dma_semaphore, #tpu.memory_space<semaphore_mem>>) src(%arg7 : memref<512x16xf32, #tpu.memory_space<vmem>>) dst(%dma_wait3A_105 : memref<512x16xf32, #tpu.memory_space<vmem_shared>>)
      tpu.yield
    }) : () -> ()
    %mul3A_59 = arith.constant 4096 : i32
    %mul3A_60 = arith.muli %arg1, %mul3A_59 : i32
    %add3A_61 = arith.constant 1024 : i32
    %add3A_62 = arith.addi %mul3A_60, %add3A_61 : i32
    "tpu.region"() ({
      %run_scoped3A = tpu.sem_alloc : memref<!tpu.dma_semaphore, #tpu.memory_space<semaphore_mem>>
      %dma_start3A = arith.constant 0 : i32
      %dma_start3A_100 = tpu.memref_slice %arg6[%add3A_62, %dma_start3A] : memref<65536x16xf32, #tpu.memory_space<vmem_shared>> -> memref<512x16xf32, #tpu.memory_space<vmem_shared>>
      %dma_start3A_101 = arith.constant 0 : i32
      %dma_start3A_102 = tpu.memref_slice %arg6[%add3A_62, %dma_start3A_101] : memref<65536x16xf32, #tpu.memory_space<vmem_shared>> -> memref<512x16xf32, #tpu.memory_space<vmem_shared>>
      tpu.enqueue_dma source(%arg7 : memref<512x16xf32, #tpu.memory_space<vmem>>) target(%dma_start3A_102 : memref<512x16xf32, #tpu.memory_space<vmem_shared>>) target_semaphore(%run_scoped3A : memref<!tpu.dma_semaphore, #tpu.memory_space<semaphore_mem>>)
      %dma_wait3A = arith.constant 0 : i32
      %dma_wait3A_103 = tpu.memref_slice %arg6[%add3A_62, %dma_wait3A] : memref<65536x16xf32, #tpu.memory_space<vmem_shared>> -> memref<512x16xf32, #tpu.memory_space<vmem_shared>>
      %dma_wait3A_104 = arith.constant 0 : i32
      %dma_wait3A_105 = tpu.memref_slice %arg6[%add3A_62, %dma_wait3A_104] : memref<65536x16xf32, #tpu.memory_space<vmem_shared>> -> memref<512x16xf32, #tpu.memory_space<vmem_shared>>
      tpu.wait_dma2 semaphore(%run_scoped3A : memref<!tpu.dma_semaphore, #tpu.memory_space<semaphore_mem>>) src(%arg7 : memref<512x16xf32, #tpu.memory_space<vmem>>) dst(%dma_wait3A_105 : memref<512x16xf32, #tpu.memory_space<vmem_shared>>)
      tpu.yield
    }) : () -> ()
    %mul3A_63 = arith.constant 4096 : i32
    %mul3A_64 = arith.muli %arg1, %mul3A_63 : i32
    %add3A_65 = arith.constant 1536 : i32
    %add3A_66 = arith.addi %mul3A_64, %add3A_65 : i32
    "tpu.region"() ({
      %run_scoped3A = tpu.sem_alloc : memref<!tpu.dma_semaphore, #tpu.memory_space<semaphore_mem>>
      %dma_start3A = arith.constant 0 : i32
      %dma_start3A_100 = tpu.memref_slice %arg6[%add3A_66, %dma_start3A] : memref<65536x16xf32, #tpu.memory_space<vmem_shared>> -> memref<512x16xf32, #tpu.memory_space<vmem_shared>>
      %dma_start3A_101 = arith.constant 0 : i32
      %dma_start3A_102 = tpu.memref_slice %arg6[%add3A_66, %dma_start3A_101] : memref<65536x16xf32, #tpu.memory_space<vmem_shared>> -> memref<512x16xf32, #tpu.memory_space<vmem_shared>>
      tpu.enqueue_dma source(%arg7 : memref<512x16xf32, #tpu.memory_space<vmem>>) target(%dma_start3A_102 : memref<512x16xf32, #tpu.memory_space<vmem_shared>>) target_semaphore(%run_scoped3A : memref<!tpu.dma_semaphore, #tpu.memory_space<semaphore_mem>>)
      %dma_wait3A = arith.constant 0 : i32
      %dma_wait3A_103 = tpu.memref_slice %arg6[%add3A_66, %dma_wait3A] : memref<65536x16xf32, #tpu.memory_space<vmem_shared>> -> memref<512x16xf32, #tpu.memory_space<vmem_shared>>
      %dma_wait3A_104 = arith.constant 0 : i32
      %dma_wait3A_105 = tpu.memref_slice %arg6[%add3A_66, %dma_wait3A_104] : memref<65536x16xf32, #tpu.memory_space<vmem_shared>> -> memref<512x16xf32, #tpu.memory_space<vmem_shared>>
      tpu.wait_dma2 semaphore(%run_scoped3A : memref<!tpu.dma_semaphore, #tpu.memory_space<semaphore_mem>>) src(%arg7 : memref<512x16xf32, #tpu.memory_space<vmem>>) dst(%dma_wait3A_105 : memref<512x16xf32, #tpu.memory_space<vmem_shared>>)
      tpu.yield
    }) : () -> ()
    %mul3A_67 = arith.constant 4096 : i32
    %mul3A_68 = arith.muli %arg1, %mul3A_67 : i32
    %add3A_69 = arith.constant 2048 : i32
    %add3A_70 = arith.addi %mul3A_68, %add3A_69 : i32
    "tpu.region"() ({
      %run_scoped3A = tpu.sem_alloc : memref<!tpu.dma_semaphore, #tpu.memory_space<semaphore_mem>>
      %dma_start3A = arith.constant 0 : i32
      %dma_start3A_100 = tpu.memref_slice %arg6[%add3A_70, %dma_start3A] : memref<65536x16xf32, #tpu.memory_space<vmem_shared>> -> memref<512x16xf32, #tpu.memory_space<vmem_shared>>
      %dma_start3A_101 = arith.constant 0 : i32
      %dma_start3A_102 = tpu.memref_slice %arg6[%add3A_70, %dma_start3A_101] : memref<65536x16xf32, #tpu.memory_space<vmem_shared>> -> memref<512x16xf32, #tpu.memory_space<vmem_shared>>
      tpu.enqueue_dma source(%arg7 : memref<512x16xf32, #tpu.memory_space<vmem>>) target(%dma_start3A_102 : memref<512x16xf32, #tpu.memory_space<vmem_shared>>) target_semaphore(%run_scoped3A : memref<!tpu.dma_semaphore, #tpu.memory_space<semaphore_mem>>)
      %dma_wait3A = arith.constant 0 : i32
      %dma_wait3A_103 = tpu.memref_slice %arg6[%add3A_70, %dma_wait3A] : memref<65536x16xf32, #tpu.memory_space<vmem_shared>> -> memref<512x16xf32, #tpu.memory_space<vmem_shared>>
      %dma_wait3A_104 = arith.constant 0 : i32
      %dma_wait3A_105 = tpu.memref_slice %arg6[%add3A_70, %dma_wait3A_104] : memref<65536x16xf32, #tpu.memory_space<vmem_shared>> -> memref<512x16xf32, #tpu.memory_space<vmem_shared>>
      tpu.wait_dma2 semaphore(%run_scoped3A : memref<!tpu.dma_semaphore, #tpu.memory_space<semaphore_mem>>) src(%arg7 : memref<512x16xf32, #tpu.memory_space<vmem>>) dst(%dma_wait3A_105 : memref<512x16xf32, #tpu.memory_space<vmem_shared>>)
      tpu.yield
    }) : () -> ()
    %mul3A_71 = arith.constant 4096 : i32
    %mul3A_72 = arith.muli %arg1, %mul3A_71 : i32
    %add3A_73 = arith.constant 2560 : i32
    %add3A_74 = arith.addi %mul3A_72, %add3A_73 : i32
    "tpu.region"() ({
      %run_scoped3A = tpu.sem_alloc : memref<!tpu.dma_semaphore, #tpu.memory_space<semaphore_mem>>
      %dma_start3A = arith.constant 0 : i32
      %dma_start3A_100 = tpu.memref_slice %arg6[%add3A_74, %dma_start3A] : memref<65536x16xf32, #tpu.memory_space<vmem_shared>> -> memref<512x16xf32, #tpu.memory_space<vmem_shared>>
      %dma_start3A_101 = arith.constant 0 : i32
      %dma_start3A_102 = tpu.memref_slice %arg6[%add3A_74, %dma_start3A_101] : memref<65536x16xf32, #tpu.memory_space<vmem_shared>> -> memref<512x16xf32, #tpu.memory_space<vmem_shared>>
      tpu.enqueue_dma source(%arg7 : memref<512x16xf32, #tpu.memory_space<vmem>>) target(%dma_start3A_102 : memref<512x16xf32, #tpu.memory_space<vmem_shared>>) target_semaphore(%run_scoped3A : memref<!tpu.dma_semaphore, #tpu.memory_space<semaphore_mem>>)
      %dma_wait3A = arith.constant 0 : i32
      %dma_wait3A_103 = tpu.memref_slice %arg6[%add3A_74, %dma_wait3A] : memref<65536x16xf32, #tpu.memory_space<vmem_shared>> -> memref<512x16xf32, #tpu.memory_space<vmem_shared>>
      %dma_wait3A_104 = arith.constant 0 : i32
      %dma_wait3A_105 = tpu.memref_slice %arg6[%add3A_74, %dma_wait3A_104] : memref<65536x16xf32, #tpu.memory_space<vmem_shared>> -> memref<512x16xf32, #tpu.memory_space<vmem_shared>>
      tpu.wait_dma2 semaphore(%run_scoped3A : memref<!tpu.dma_semaphore, #tpu.memory_space<semaphore_mem>>) src(%arg7 : memref<512x16xf32, #tpu.memory_space<vmem>>) dst(%dma_wait3A_105 : memref<512x16xf32, #tpu.memory_space<vmem_shared>>)
      tpu.yield
    }) : () -> ()
    %mul3A_75 = arith.constant 4096 : i32
    %mul3A_76 = arith.muli %arg1, %mul3A_75 : i32
    %add3A_77 = arith.constant 3072 : i32
    %add3A_78 = arith.addi %mul3A_76, %add3A_77 : i32
    "tpu.region"() ({
      %run_scoped3A = tpu.sem_alloc : memref<!tpu.dma_semaphore, #tpu.memory_space<semaphore_mem>>
      %dma_start3A = arith.constant 0 : i32
      %dma_start3A_100 = tpu.memref_slice %arg6[%add3A_78, %dma_start3A] : memref<65536x16xf32, #tpu.memory_space<vmem_shared>> -> memref<512x16xf32, #tpu.memory_space<vmem_shared>>
      %dma_start3A_101 = arith.constant 0 : i32
      %dma_start3A_102 = tpu.memref_slice %arg6[%add3A_78, %dma_start3A_101] : memref<65536x16xf32, #tpu.memory_space<vmem_shared>> -> memref<512x16xf32, #tpu.memory_space<vmem_shared>>
      tpu.enqueue_dma source(%arg7 : memref<512x16xf32, #tpu.memory_space<vmem>>) target(%dma_start3A_102 : memref<512x16xf32, #tpu.memory_space<vmem_shared>>) target_semaphore(%run_scoped3A : memref<!tpu.dma_semaphore, #tpu.memory_space<semaphore_mem>>)
      %dma_wait3A = arith.constant 0 : i32
      %dma_wait3A_103 = tpu.memref_slice %arg6[%add3A_78, %dma_wait3A] : memref<65536x16xf32, #tpu.memory_space<vmem_shared>> -> memref<512x16xf32, #tpu.memory_space<vmem_shared>>
      %dma_wait3A_104 = arith.constant 0 : i32
      %dma_wait3A_105 = tpu.memref_slice %arg6[%add3A_78, %dma_wait3A_104] : memref<65536x16xf32, #tpu.memory_space<vmem_shared>> -> memref<512x16xf32, #tpu.memory_space<vmem_shared>>
      tpu.wait_dma2 semaphore(%run_scoped3A : memref<!tpu.dma_semaphore, #tpu.memory_space<semaphore_mem>>) src(%arg7 : memref<512x16xf32, #tpu.memory_space<vmem>>) dst(%dma_wait3A_105 : memref<512x16xf32, #tpu.memory_space<vmem_shared>>)
      tpu.yield
    }) : () -> ()
    %mul3A_79 = arith.constant 4096 : i32
    %mul3A_80 = arith.muli %arg1, %mul3A_79 : i32
    %add3A_81 = arith.constant 3584 : i32
    %add3A_82 = arith.addi %mul3A_80, %add3A_81 : i32
    "tpu.region"() ({
      %run_scoped3A = tpu.sem_alloc : memref<!tpu.dma_semaphore, #tpu.memory_space<semaphore_mem>>
      %dma_start3A = arith.constant 0 : i32
      %dma_start3A_100 = tpu.memref_slice %arg6[%add3A_82, %dma_start3A] : memref<65536x16xf32, #tpu.memory_space<vmem_shared>> -> memref<512x16xf32, #tpu.memory_space<vmem_shared>>
      %dma_start3A_101 = arith.constant 0 : i32
      %dma_start3A_102 = tpu.memref_slice %arg6[%add3A_82, %dma_start3A_101] : memref<65536x16xf32, #tpu.memory_space<vmem_shared>> -> memref<512x16xf32, #tpu.memory_space<vmem_shared>>
      tpu.enqueue_dma source(%arg7 : memref<512x16xf32, #tpu.memory_space<vmem>>) target(%dma_start3A_102 : memref<512x16xf32, #tpu.memory_space<vmem_shared>>) target_semaphore(%run_scoped3A : memref<!tpu.dma_semaphore, #tpu.memory_space<semaphore_mem>>)
      %dma_wait3A = arith.constant 0 : i32
      %dma_wait3A_103 = tpu.memref_slice %arg6[%add3A_82, %dma_wait3A] : memref<65536x16xf32, #tpu.memory_space<vmem_shared>> -> memref<512x16xf32, #tpu.memory_space<vmem_shared>>
      %dma_wait3A_104 = arith.constant 0 : i32
      %dma_wait3A_105 = tpu.memref_slice %arg6[%add3A_82, %dma_wait3A_104] : memref<65536x16xf32, #tpu.memory_space<vmem_shared>> -> memref<512x16xf32, #tpu.memory_space<vmem_shared>>
      tpu.wait_dma2 semaphore(%run_scoped3A : memref<!tpu.dma_semaphore, #tpu.memory_space<semaphore_mem>>) src(%arg7 : memref<512x16xf32, #tpu.memory_space<vmem>>) dst(%dma_wait3A_105 : memref<512x16xf32, #tpu.memory_space<vmem_shared>>)
      tpu.yield
    }) : () -> ()
    %barrier3A_83 = arith.constant 0 : index
    tpu.barrier barrier_id(%barrier3A_83)
    %scan3A_84 = arith.constant 0 : i32
    %scan3A_85 = arith.constant 0 : i32
    %scan3A_86 = arith.constant 32 : i32
    %scan3A_87 = arith.addi %scan3A_85, %scan3A_86 : i32
    %scan3A_88 = arith.constant 1 : i32
    scf.for %scan3A_100 = %scan3A_85 to %scan3A_87 step %scan3A_88  : i32 {
      %mul3A_101 = arith.constant 65536 : i32
      %mul3A_102 = arith.muli %arg1, %mul3A_101 : i32
      %mul3A_103 = arith.constant 2048 : i32
      %mul3A_104 = arith.muli %scan3A_100, %mul3A_103 : i32
      %add3A_105 = arith.addi %mul3A_102, %mul3A_104 : i32
      %add3A_106 = arith.constant 2 : i32
      %add3A_107 = arith.addi %add3A_106, %arg0 : i32
      "tpu.region"() ({
        %run_scoped3A = tpu.sem_alloc : memref<!tpu.dma_semaphore, #tpu.memory_space<semaphore_mem>>
        %dma_start3A_112 = tpu.memref_slice %arg3[%add3A_107, %add3A_105] : memref<4x1048576xi32, #tpu.memory_space<hbm>> -> memref<1x2048xi32, #tpu.memory_space<hbm>>
        %dma_start3A_113 = tpu.memref_squeeze %dma_start3A_112 : memref<1x2048xi32, #tpu.memory_space<hbm>> -> memref<2048xi32, #tpu.memory_space<hbm>>
        %dma_start3A_114 = tpu.memref_slice %arg3[%add3A_107, %add3A_105] : memref<4x1048576xi32, #tpu.memory_space<hbm>> -> memref<1x2048xi32, #tpu.memory_space<hbm>>
        %dma_start3A_115 = tpu.memref_squeeze %dma_start3A_114 : memref<1x2048xi32, #tpu.memory_space<hbm>> -> memref<2048xi32, #tpu.memory_space<hbm>>
        tpu.enqueue_dma source(%dma_start3A_115 : memref<2048xi32, #tpu.memory_space<hbm>>) target(%arg8 : memref<2048xi32, #tpu.memory_space<vmem>>) target_semaphore(%run_scoped3A : memref<!tpu.dma_semaphore, #tpu.memory_space<semaphore_mem>>)
        %dma_wait3A_116 = tpu.memref_slice %arg3[%add3A_107, %add3A_105] : memref<4x1048576xi32, #tpu.memory_space<hbm>> -> memref<1x2048xi32, #tpu.memory_space<hbm>>
        %dma_wait3A_117 = tpu.memref_squeeze %dma_wait3A_116 : memref<1x2048xi32, #tpu.memory_space<hbm>> -> memref<2048xi32, #tpu.memory_space<hbm>>
        %dma_wait3A_118 = tpu.memref_slice %arg3[%add3A_107, %add3A_105] : memref<4x1048576xi32, #tpu.memory_space<hbm>> -> memref<1x2048xi32, #tpu.memory_space<hbm>>
        %dma_wait3A_119 = tpu.memref_squeeze %dma_wait3A_118 : memref<1x2048xi32, #tpu.memory_space<hbm>> -> memref<2048xi32, #tpu.memory_space<hbm>>
        tpu.wait_dma2 semaphore(%run_scoped3A : memref<!tpu.dma_semaphore, #tpu.memory_space<semaphore_mem>>) src(%dma_wait3A_119 : memref<2048xi32, #tpu.memory_space<hbm>>) dst(%arg8 : memref<2048xi32, #tpu.memory_space<vmem>>)
        tpu.yield
      }) : () -> ()
      "tpu.region"() ({
        %run_scoped3A = tpu.sem_alloc : memref<!tpu.dma_semaphore, #tpu.memory_space<semaphore_mem>>
        %dma_start3A_112 = tpu.memref_slice %arg4[%add3A_105] : memref<1048576xi32, #tpu.memory_space<hbm>> -> memref<2048xi32, #tpu.memory_space<hbm>>
        %dma_start3A_113 = tpu.memref_slice %arg4[%add3A_105] : memref<1048576xi32, #tpu.memory_space<hbm>> -> memref<2048xi32, #tpu.memory_space<hbm>>
        tpu.enqueue_dma source(%dma_start3A_113 : memref<2048xi32, #tpu.memory_space<hbm>>) target(%arg9 : memref<2048xi32, #tpu.memory_space<vmem>>) target_semaphore(%run_scoped3A : memref<!tpu.dma_semaphore, #tpu.memory_space<semaphore_mem>>)
        %dma_wait3A_114 = tpu.memref_slice %arg4[%add3A_105] : memref<1048576xi32, #tpu.memory_space<hbm>> -> memref<2048xi32, #tpu.memory_space<hbm>>
        %dma_wait3A_115 = tpu.memref_slice %arg4[%add3A_105] : memref<1048576xi32, #tpu.memory_space<hbm>> -> memref<2048xi32, #tpu.memory_space<hbm>>
        tpu.wait_dma2 semaphore(%run_scoped3A : memref<!tpu.dma_semaphore, #tpu.memory_space<semaphore_mem>>) src(%dma_wait3A_115 : memref<2048xi32, #tpu.memory_space<hbm>>) dst(%arg9 : memref<2048xi32, #tpu.memory_space<vmem>>)
        tpu.yield
      }) : () -> ()
      %dma_start3A = arith.constant 0 : i32
      %dma_start3A_108 = arith.constant 0 : i32
      %dma_start3A_109 = tpu.memref_slice %arg2[%dma_start3A, %dma_start3A_108] : memref<262144x16xf32, #tpu.memory_space<hbm>> -> memref<262144x16xf32, #tpu.memory_space<hbm>>
      tpu.enqueue_indirect_dma source(%dma_start3A_109 : memref<262144x16xf32, #tpu.memory_space<hbm>>) target(%arg10 : memref<2048x16xf32, #tpu.memory_space<vmem>>) offsets(%arg8 : memref<2048xi32, #tpu.memory_space<vmem>>) semaphore(%arg11 : memref<!tpu.dma_semaphore, #tpu.memory_space<semaphore_mem>>)
      %dma_wait3A = arith.constant 0 : i32
      %dma_wait3A_110 = arith.constant 0 : i32
      %dma_wait3A_111 = tpu.memref_slice %arg2[%dma_wait3A, %dma_wait3A_110] : memref<262144x16xf32, #tpu.memory_space<hbm>> -> memref<262144x16xf32, #tpu.memory_space<hbm>>
      tpu.wait_indirect_dma semaphore(%arg11 : memref<!tpu.dma_semaphore, #tpu.memory_space<semaphore_mem>>) src(%dma_wait3A_111 : memref<262144x16xf32, #tpu.memory_space<hbm>>) dst(%arg10 : memref<2048x16xf32, #tpu.memory_space<vmem>>)
      "tpu.region"() ({
        %run_scoped3A = tpu.sem_alloc : memref<!tpu.dma_semaphore, #tpu.memory_space<semaphore_mem>>
        %dma_start3A_112 = arith.constant 0 : i32
        %dma_start3A_113 = arith.constant 0 : i32
        %dma_start3A_114 = tpu.memref_slice %arg6[%dma_start3A_112, %dma_start3A_113] : memref<65536x16xf32, #tpu.memory_space<vmem_shared>> -> memref<65536x16xf32, #tpu.memory_space<vmem_shared>>
        tpu.enqueue_indirect_dma source(%arg10 : memref<2048x16xf32, #tpu.memory_space<vmem>>) target(%dma_start3A_114 : memref<65536x16xf32, #tpu.memory_space<vmem_shared>>) offsets(%arg9 : memref<2048xi32, #tpu.memory_space<vmem>>) semaphore(%run_scoped3A : memref<!tpu.dma_semaphore, #tpu.memory_space<semaphore_mem>>) {add = true}
        %dma_wait3A_115 = arith.constant 0 : i32
        %dma_wait3A_116 = arith.constant 0 : i32
        %dma_wait3A_117 = tpu.memref_slice %arg6[%dma_wait3A_115, %dma_wait3A_116] : memref<65536x16xf32, #tpu.memory_space<vmem_shared>> -> memref<65536x16xf32, #tpu.memory_space<vmem_shared>>
        tpu.wait_indirect_dma semaphore(%run_scoped3A : memref<!tpu.dma_semaphore, #tpu.memory_space<semaphore_mem>>) src(%arg10 : memref<2048x16xf32, #tpu.memory_space<vmem>>) dst(%dma_wait3A_117 : memref<65536x16xf32, #tpu.memory_space<vmem_shared>>)
        tpu.yield
      }) : () -> ()
    }
    %scan3A_89 = arith.constant 32 : i32
    %barrier3A_90 = arith.constant 0 : index
    tpu.barrier barrier_id(%barrier3A_90)
    %mul3A_91 = arith.constant 4096 : i32
    %mul3A_92 = arith.muli %arg1, %mul3A_91 : i32
    %mul3A_93 = arith.constant 4096 : i32
    %mul3A_94 = arith.muli %arg1, %mul3A_93 : i32
    %add3A_95 = arith.constant 2 : i32
    %add3A_96 = arith.addi %add3A_95, %arg0 : i32
    %mul3A_97 = arith.constant 16 : i32
    %mul3A_98 = arith.muli %mul3A_97, %add3A_96 : i32
    "tpu.region"() ({
      %run_scoped3A = tpu.sem_alloc : memref<!tpu.dma_semaphore, #tpu.memory_space<semaphore_mem>>
      %dma_start3A = tpu.memref_slice %arg5[%mul3A_94, %mul3A_98] : memref<65536x64xf32, #tpu.memory_space<hbm>> -> memref<4096x16xf32, #tpu.memory_space<hbm>>
      %dma_start3A_100 = arith.constant 0 : i32
      %dma_start3A_101 = tpu.memref_slice %arg6[%mul3A_92, %dma_start3A_100] : memref<65536x16xf32, #tpu.memory_space<vmem_shared>> -> memref<4096x16xf32, #tpu.memory_space<vmem_shared>>
      tpu.enqueue_dma source(%dma_start3A_101 : memref<4096x16xf32, #tpu.memory_space<vmem_shared>>) target(%dma_start3A : memref<4096x16xf32, #tpu.memory_space<hbm>>) target_semaphore(%run_scoped3A : memref<!tpu.dma_semaphore, #tpu.memory_space<semaphore_mem>>)
      %dma_wait3A = tpu.memref_slice %arg5[%mul3A_94, %mul3A_98] : memref<65536x64xf32, #tpu.memory_space<hbm>> -> memref<4096x16xf32, #tpu.memory_space<hbm>>
      %dma_wait3A_102 = arith.constant 0 : i32
      %dma_wait3A_103 = tpu.memref_slice %arg6[%mul3A_92, %dma_wait3A_102] : memref<65536x16xf32, #tpu.memory_space<vmem_shared>> -> memref<4096x16xf32, #tpu.memory_space<vmem_shared>>
      tpu.wait_dma2 semaphore(%run_scoped3A : memref<!tpu.dma_semaphore, #tpu.memory_space<semaphore_mem>>) src(%dma_wait3A_103 : memref<4096x16xf32, #tpu.memory_space<vmem_shared>>) dst(%dma_wait3A : memref<4096x16xf32, #tpu.memory_space<hbm>>)
      tpu.yield
    }) : () -> ()
    %barrier3A_99 = arith.constant 0 : index
    tpu.barrier barrier_id(%barrier3A_99)
    return
  }
}

#map = affine_map<(d0, d1) -> (0, 0)>
#map1 = affine_map<(d0, d1) -> (0)>
module attributes {stable_mosaic.version = 14 : i64} {
  func.func @body(%arg0: i32, %arg1: i32, %arg2: memref<262144x16xf32, #tpu.memory_space<hbm>>, %arg3: memref<4x1048576xi32, #tpu.memory_space<hbm>>, %arg4: memref<1048576xi32, #tpu.memory_space<hbm>>, %arg5: memref<65536x64xf32, #tpu.memory_space<hbm>>, %arg6: memref<65536x16xf32, #tpu.memory_space<vmem_shared>>, %arg7: memref<512x16xf32, #tpu.memory_space<vmem>>, %arg8: memref<2048xi32, #tpu.memory_space<vmem>>, %arg9: memref<2048xi32, #tpu.memory_space<vmem>>, %arg10: memref<2048x16xf32, #tpu.memory_space<vmem>>, %arg11: memref<!tpu.dma_semaphore, #tpu.memory_space<semaphore_mem>>) attributes {dimension_semantics = [#tpu.dimension_semantics<core_parallel>, #tpu.dimension_semantics<subcore_parallel>], iteration_bounds = array<i64: 2, 16>, scalar_prefetch = 0 : i64, scratch_operands = 6 : i64, tpu.core_type = #tpu.core_type<sc_vector_subcore>, window_params = [{transform_indices = #map}, {transform_indices = #map}, {transform_indices = #map1}, {transform_indices = #map}]} {
    %scan3A = arith.constant 0 : i32
    %scan3A_0 = arith.constant 0 : i32
    %scan3A_1 = arith.constant 512 : i32
    %scan3A_2 = arith.addi %scan3A_0, %scan3A_1 : i32
    %scan3A_3 = arith.constant 1 : i32
    scf.for %scan3A_100 = %scan3A_0 to %scan3A_2 step %scan3A_3  : i32 {
      %broadcast_in_dim3A = arith.constant 0.000000e+00 : f32
      %broadcast_in_dim3A_101 = vector.broadcast %broadcast_in_dim3A : f32 to vector<16xf32>
      %swap3A = arith.index_cast %scan3A_100 : i32 to index
      %swap3A_102 = arith.constant 0 : index
      %swap3A_103 = tpu.vector_load %arg7[%swap3A, %swap3A_102] {strides = array<i32>} : memref<512x16xf32, #tpu.memory_space<vmem>>, vector<1x16xf32>,
      %swap3A_104 = vector.shape_cast %swap3A_103 : vector<1x16xf32> to vector<16xf32>
      %swap3A_105 = vector.shape_cast %broadcast_in_dim3A_101 : vector<16xf32> to vector<1x16xf32>
      tpu.vector_store %arg7[%swap3A, %swap3A_102], %swap3A_105 {strides = array<i32>} : memref<512x16xf32, #tpu.memory_space<vmem>>, vector<1x16xf32>,
    }
    %scan3A_4 = arith.constant 512 : i32
    %mul3A = arith.constant 4096 : i32
    %mul3A_5 = arith.muli %arg1, %mul3A : i32
    %add3A = arith.constant 0 : i32
    %add3A_6 = arith.addi %mul3A_5, %add3A : i32
    "tpu.region"() ({
      %run_scoped3A = tpu.sem_alloc : memref<!tpu.dma_semaphore, #tpu.memory_space<semaphore_mem>>
      %dma_start3A = arith.constant 0 : i32
      %dma_start3A_100 = tpu.memref_slice %arg6[%add3A_6, %dma_start3A] : memref<65536x16xf32, #tpu.memory_space<vmem_shared>> -> memref<512x16xf32, #tpu.memory_space<vmem_shared>>
      %dma_start3A_101 = arith.constant 0 : i32
      %dma_start3A_102 = tpu.memref_slice %arg6[%add3A_6, %dma_start3A_101] : memref<65536x16xf32, #tpu.memory_space<vmem_shared>> -> memref<512x16xf32, #tpu.memory_space<vmem_shared>>
      tpu.enqueue_dma source(%arg7 : memref<512x16xf32, #tpu.memory_space<vmem>>) target(%dma_start3A_102 : memref<512x16xf32, #tpu.memory_space<vmem_shared>>) target_semaphore(%run_scoped3A : memref<!tpu.dma_semaphore, #tpu.memory_space<semaphore_mem>>)
      %dma_wait3A = arith.constant 0 : i32
      %dma_wait3A_103 = tpu.memref_slice %arg6[%add3A_6, %dma_wait3A] : memref<65536x16xf32, #tpu.memory_space<vmem_shared>> -> memref<512x16xf32, #tpu.memory_space<vmem_shared>>
      %dma_wait3A_104 = arith.constant 0 : i32
      %dma_wait3A_105 = tpu.memref_slice %arg6[%add3A_6, %dma_wait3A_104] : memref<65536x16xf32, #tpu.memory_space<vmem_shared>> -> memref<512x16xf32, #tpu.memory_space<vmem_shared>>
      tpu.wait_dma2 semaphore(%run_scoped3A : memref<!tpu.dma_semaphore, #tpu.memory_space<semaphore_mem>>) src(%arg7 : memref<512x16xf32, #tpu.memory_space<vmem>>) dst(%dma_wait3A_105 : memref<512x16xf32, #tpu.memory_space<vmem_shared>>)
      tpu.yield
    }) : () -> ()
    %mul3A_7 = arith.constant 4096 : i32
    %mul3A_8 = arith.muli %arg1, %mul3A_7 : i32
    %add3A_9 = arith.constant 512 : i32
    %add3A_10 = arith.addi %mul3A_8, %add3A_9 : i32
    "tpu.region"() ({
      %run_scoped3A = tpu.sem_alloc : memref<!tpu.dma_semaphore, #tpu.memory_space<semaphore_mem>>
      %dma_start3A = arith.constant 0 : i32
      %dma_start3A_100 = tpu.memref_slice %arg6[%add3A_10, %dma_start3A] : memref<65536x16xf32, #tpu.memory_space<vmem_shared>> -> memref<512x16xf32, #tpu.memory_space<vmem_shared>>
      %dma_start3A_101 = arith.constant 0 : i32
      %dma_start3A_102 = tpu.memref_slice %arg6[%add3A_10, %dma_start3A_101] : memref<65536x16xf32, #tpu.memory_space<vmem_shared>> -> memref<512x16xf32, #tpu.memory_space<vmem_shared>>
      tpu.enqueue_dma source(%arg7 : memref<512x16xf32, #tpu.memory_space<vmem>>) target(%dma_start3A_102 : memref<512x16xf32, #tpu.memory_space<vmem_shared>>) target_semaphore(%run_scoped3A : memref<!tpu.dma_semaphore, #tpu.memory_space<semaphore_mem>>)
      %dma_wait3A = arith.constant 0 : i32
      %dma_wait3A_103 = tpu.memref_slice %arg6[%add3A_10, %dma_wait3A] : memref<65536x16xf32, #tpu.memory_space<vmem_shared>> -> memref<512x16xf32, #tpu.memory_space<vmem_shared>>
      %dma_wait3A_104 = arith.constant 0 : i32
      %dma_wait3A_105 = tpu.memref_slice %arg6[%add3A_10, %dma_wait3A_104] : memref<65536x16xf32, #tpu.memory_space<vmem_shared>> -> memref<512x16xf32, #tpu.memory_space<vmem_shared>>
      tpu.wait_dma2 semaphore(%run_scoped3A : memref<!tpu.dma_semaphore, #tpu.memory_space<semaphore_mem>>) src(%arg7 : memref<512x16xf32, #tpu.memory_space<vmem>>) dst(%dma_wait3A_105 : memref<512x16xf32, #tpu.memory_space<vmem_shared>>)
      tpu.yield
    }) : () -> ()
    %mul3A_11 = arith.constant 4096 : i32
    %mul3A_12 = arith.muli %arg1, %mul3A_11 : i32
    %add3A_13 = arith.constant 1024 : i32
    %add3A_14 = arith.addi %mul3A_12, %add3A_13 : i32
    "tpu.region"() ({
      %run_scoped3A = tpu.sem_alloc : memref<!tpu.dma_semaphore, #tpu.memory_space<semaphore_mem>>
      %dma_start3A = arith.constant 0 : i32
      %dma_start3A_100 = tpu.memref_slice %arg6[%add3A_14, %dma_start3A] : memref<65536x16xf32, #tpu.memory_space<vmem_shared>> -> memref<512x16xf32, #tpu.memory_space<vmem_shared>>
      %dma_start3A_101 = arith.constant 0 : i32
      %dma_start3A_102 = tpu.memref_slice %arg6[%add3A_14, %dma_start3A_101] : memref<65536x16xf32, #tpu.memory_space<vmem_shared>> -> memref<512x16xf32, #tpu.memory_space<vmem_shared>>
      tpu.enqueue_dma source(%arg7 : memref<512x16xf32, #tpu.memory_space<vmem>>) target(%dma_start3A_102 : memref<512x16xf32, #tpu.memory_space<vmem_shared>>) target_semaphore(%run_scoped3A : memref<!tpu.dma_semaphore, #tpu.memory_space<semaphore_mem>>)
      %dma_wait3A = arith.constant 0 : i32
      %dma_wait3A_103 = tpu.memref_slice %arg6[%add3A_14, %dma_wait3A] : memref<65536x16xf32, #tpu.memory_space<vmem_shared>> -> memref<512x16xf32, #tpu.memory_space<vmem_shared>>
      %dma_wait3A_104 = arith.constant 0 : i32
      %dma_wait3A_105 = tpu.memref_slice %arg6[%add3A_14, %dma_wait3A_104] : memref<65536x16xf32, #tpu.memory_space<vmem_shared>> -> memref<512x16xf32, #tpu.memory_space<vmem_shared>>
      tpu.wait_dma2 semaphore(%run_scoped3A : memref<!tpu.dma_semaphore, #tpu.memory_space<semaphore_mem>>) src(%arg7 : memref<512x16xf32, #tpu.memory_space<vmem>>) dst(%dma_wait3A_105 : memref<512x16xf32, #tpu.memory_space<vmem_shared>>)
      tpu.yield
    }) : () -> ()
    %mul3A_15 = arith.constant 4096 : i32
    %mul3A_16 = arith.muli %arg1, %mul3A_15 : i32
    %add3A_17 = arith.constant 1536 : i32
    %add3A_18 = arith.addi %mul3A_16, %add3A_17 : i32
    "tpu.region"() ({
      %run_scoped3A = tpu.sem_alloc : memref<!tpu.dma_semaphore, #tpu.memory_space<semaphore_mem>>
      %dma_start3A = arith.constant 0 : i32
      %dma_start3A_100 = tpu.memref_slice %arg6[%add3A_18, %dma_start3A] : memref<65536x16xf32, #tpu.memory_space<vmem_shared>> -> memref<512x16xf32, #tpu.memory_space<vmem_shared>>
      %dma_start3A_101 = arith.constant 0 : i32
      %dma_start3A_102 = tpu.memref_slice %arg6[%add3A_18, %dma_start3A_101] : memref<65536x16xf32, #tpu.memory_space<vmem_shared>> -> memref<512x16xf32, #tpu.memory_space<vmem_shared>>
      tpu.enqueue_dma source(%arg7 : memref<512x16xf32, #tpu.memory_space<vmem>>) target(%dma_start3A_102 : memref<512x16xf32, #tpu.memory_space<vmem_shared>>) target_semaphore(%run_scoped3A : memref<!tpu.dma_semaphore, #tpu.memory_space<semaphore_mem>>)
      %dma_wait3A = arith.constant 0 : i32
      %dma_wait3A_103 = tpu.memref_slice %arg6[%add3A_18, %dma_wait3A] : memref<65536x16xf32, #tpu.memory_space<vmem_shared>> -> memref<512x16xf32, #tpu.memory_space<vmem_shared>>
      %dma_wait3A_104 = arith.constant 0 : i32
      %dma_wait3A_105 = tpu.memref_slice %arg6[%add3A_18, %dma_wait3A_104] : memref<65536x16xf32, #tpu.memory_space<vmem_shared>> -> memref<512x16xf32, #tpu.memory_space<vmem_shared>>
      tpu.wait_dma2 semaphore(%run_scoped3A : memref<!tpu.dma_semaphore, #tpu.memory_space<semaphore_mem>>) src(%arg7 : memref<512x16xf32, #tpu.memory_space<vmem>>) dst(%dma_wait3A_105 : memref<512x16xf32, #tpu.memory_space<vmem_shared>>)
      tpu.yield
    }) : () -> ()
    %mul3A_19 = arith.constant 4096 : i32
    %mul3A_20 = arith.muli %arg1, %mul3A_19 : i32
    %add3A_21 = arith.constant 2048 : i32
    %add3A_22 = arith.addi %mul3A_20, %add3A_21 : i32
    "tpu.region"() ({
      %run_scoped3A = tpu.sem_alloc : memref<!tpu.dma_semaphore, #tpu.memory_space<semaphore_mem>>
      %dma_start3A = arith.constant 0 : i32
      %dma_start3A_100 = tpu.memref_slice %arg6[%add3A_22, %dma_start3A] : memref<65536x16xf32, #tpu.memory_space<vmem_shared>> -> memref<512x16xf32, #tpu.memory_space<vmem_shared>>
      %dma_start3A_101 = arith.constant 0 : i32
      %dma_start3A_102 = tpu.memref_slice %arg6[%add3A_22, %dma_start3A_101] : memref<65536x16xf32, #tpu.memory_space<vmem_shared>> -> memref<512x16xf32, #tpu.memory_space<vmem_shared>>
      tpu.enqueue_dma source(%arg7 : memref<512x16xf32, #tpu.memory_space<vmem>>) target(%dma_start3A_102 : memref<512x16xf32, #tpu.memory_space<vmem_shared>>) target_semaphore(%run_scoped3A : memref<!tpu.dma_semaphore, #tpu.memory_space<semaphore_mem>>)
      %dma_wait3A = arith.constant 0 : i32
      %dma_wait3A_103 = tpu.memref_slice %arg6[%add3A_22, %dma_wait3A] : memref<65536x16xf32, #tpu.memory_space<vmem_shared>> -> memref<512x16xf32, #tpu.memory_space<vmem_shared>>
      %dma_wait3A_104 = arith.constant 0 : i32
      %dma_wait3A_105 = tpu.memref_slice %arg6[%add3A_22, %dma_wait3A_104] : memref<65536x16xf32, #tpu.memory_space<vmem_shared>> -> memref<512x16xf32, #tpu.memory_space<vmem_shared>>
      tpu.wait_dma2 semaphore(%run_scoped3A : memref<!tpu.dma_semaphore, #tpu.memory_space<semaphore_mem>>) src(%arg7 : memref<512x16xf32, #tpu.memory_space<vmem>>) dst(%dma_wait3A_105 : memref<512x16xf32, #tpu.memory_space<vmem_shared>>)
      tpu.yield
    }) : () -> ()
    %mul3A_23 = arith.constant 4096 : i32
    %mul3A_24 = arith.muli %arg1, %mul3A_23 : i32
    %add3A_25 = arith.constant 2560 : i32
    %add3A_26 = arith.addi %mul3A_24, %add3A_25 : i32
    "tpu.region"() ({
      %run_scoped3A = tpu.sem_alloc : memref<!tpu.dma_semaphore, #tpu.memory_space<semaphore_mem>>
      %dma_start3A = arith.constant 0 : i32
      %dma_start3A_100 = tpu.memref_slice %arg6[%add3A_26, %dma_start3A] : memref<65536x16xf32, #tpu.memory_space<vmem_shared>> -> memref<512x16xf32, #tpu.memory_space<vmem_shared>>
      %dma_start3A_101 = arith.constant 0 : i32
      %dma_start3A_102 = tpu.memref_slice %arg6[%add3A_26, %dma_start3A_101] : memref<65536x16xf32, #tpu.memory_space<vmem_shared>> -> memref<512x16xf32, #tpu.memory_space<vmem_shared>>
      tpu.enqueue_dma source(%arg7 : memref<512x16xf32, #tpu.memory_space<vmem>>) target(%dma_start3A_102 : memref<512x16xf32, #tpu.memory_space<vmem_shared>>) target_semaphore(%run_scoped3A : memref<!tpu.dma_semaphore, #tpu.memory_space<semaphore_mem>>)
      %dma_wait3A = arith.constant 0 : i32
      %dma_wait3A_103 = tpu.memref_slice %arg6[%add3A_26, %dma_wait3A] : memref<65536x16xf32, #tpu.memory_space<vmem_shared>> -> memref<512x16xf32, #tpu.memory_space<vmem_shared>>
      %dma_wait3A_104 = arith.constant 0 : i32
      %dma_wait3A_105 = tpu.memref_slice %arg6[%add3A_26, %dma_wait3A_104] : memref<65536x16xf32, #tpu.memory_space<vmem_shared>> -> memref<512x16xf32, #tpu.memory_space<vmem_shared>>
      tpu.wait_dma2 semaphore(%run_scoped3A : memref<!tpu.dma_semaphore, #tpu.memory_space<semaphore_mem>>) src(%arg7 : memref<512x16xf32, #tpu.memory_space<vmem>>) dst(%dma_wait3A_105 : memref<512x16xf32, #tpu.memory_space<vmem_shared>>)
      tpu.yield
    }) : () -> ()
    %mul3A_27 = arith.constant 4096 : i32
    %mul3A_28 = arith.muli %arg1, %mul3A_27 : i32
    %add3A_29 = arith.constant 3072 : i32
    %add3A_30 = arith.addi %mul3A_28, %add3A_29 : i32
    "tpu.region"() ({
      %run_scoped3A = tpu.sem_alloc : memref<!tpu.dma_semaphore, #tpu.memory_space<semaphore_mem>>
      %dma_start3A = arith.constant 0 : i32
      %dma_start3A_100 = tpu.memref_slice %arg6[%add3A_30, %dma_start3A] : memref<65536x16xf32, #tpu.memory_space<vmem_shared>> -> memref<512x16xf32, #tpu.memory_space<vmem_shared>>
      %dma_start3A_101 = arith.constant 0 : i32
      %dma_start3A_102 = tpu.memref_slice %arg6[%add3A_30, %dma_start3A_101] : memref<65536x16xf32, #tpu.memory_space<vmem_shared>> -> memref<512x16xf32, #tpu.memory_space<vmem_shared>>
      tpu.enqueue_dma source(%arg7 : memref<512x16xf32, #tpu.memory_space<vmem>>) target(%dma_start3A_102 : memref<512x16xf32, #tpu.memory_space<vmem_shared>>) target_semaphore(%run_scoped3A : memref<!tpu.dma_semaphore, #tpu.memory_space<semaphore_mem>>)
      %dma_wait3A = arith.constant 0 : i32
      %dma_wait3A_103 = tpu.memref_slice %arg6[%add3A_30, %dma_wait3A] : memref<65536x16xf32, #tpu.memory_space<vmem_shared>> -> memref<512x16xf32, #tpu.memory_space<vmem_shared>>
      %dma_wait3A_104 = arith.constant 0 : i32
      %dma_wait3A_105 = tpu.memref_slice %arg6[%add3A_30, %dma_wait3A_104] : memref<65536x16xf32, #tpu.memory_space<vmem_shared>> -> memref<512x16xf32, #tpu.memory_space<vmem_shared>>
      tpu.wait_dma2 semaphore(%run_scoped3A : memref<!tpu.dma_semaphore, #tpu.memory_space<semaphore_mem>>) src(%arg7 : memref<512x16xf32, #tpu.memory_space<vmem>>) dst(%dma_wait3A_105 : memref<512x16xf32, #tpu.memory_space<vmem_shared>>)
      tpu.yield
    }) : () -> ()
    %mul3A_31 = arith.constant 4096 : i32
    %mul3A_32 = arith.muli %arg1, %mul3A_31 : i32
    %add3A_33 = arith.constant 3584 : i32
    %add3A_34 = arith.addi %mul3A_32, %add3A_33 : i32
    "tpu.region"() ({
      %run_scoped3A = tpu.sem_alloc : memref<!tpu.dma_semaphore, #tpu.memory_space<semaphore_mem>>
      %dma_start3A = arith.constant 0 : i32
      %dma_start3A_100 = tpu.memref_slice %arg6[%add3A_34, %dma_start3A] : memref<65536x16xf32, #tpu.memory_space<vmem_shared>> -> memref<512x16xf32, #tpu.memory_space<vmem_shared>>
      %dma_start3A_101 = arith.constant 0 : i32
      %dma_start3A_102 = tpu.memref_slice %arg6[%add3A_34, %dma_start3A_101] : memref<65536x16xf32, #tpu.memory_space<vmem_shared>> -> memref<512x16xf32, #tpu.memory_space<vmem_shared>>
      tpu.enqueue_dma source(%arg7 : memref<512x16xf32, #tpu.memory_space<vmem>>) target(%dma_start3A_102 : memref<512x16xf32, #tpu.memory_space<vmem_shared>>) target_semaphore(%run_scoped3A : memref<!tpu.dma_semaphore, #tpu.memory_space<semaphore_mem>>)
      %dma_wait3A = arith.constant 0 : i32
      %dma_wait3A_103 = tpu.memref_slice %arg6[%add3A_34, %dma_wait3A] : memref<65536x16xf32, #tpu.memory_space<vmem_shared>> -> memref<512x16xf32, #tpu.memory_space<vmem_shared>>
      %dma_wait3A_104 = arith.constant 0 : i32
      %dma_wait3A_105 = tpu.memref_slice %arg6[%add3A_34, %dma_wait3A_104] : memref<65536x16xf32, #tpu.memory_space<vmem_shared>> -> memref<512x16xf32, #tpu.memory_space<vmem_shared>>
      tpu.wait_dma2 semaphore(%run_scoped3A : memref<!tpu.dma_semaphore, #tpu.memory_space<semaphore_mem>>) src(%arg7 : memref<512x16xf32, #tpu.memory_space<vmem>>) dst(%dma_wait3A_105 : memref<512x16xf32, #tpu.memory_space<vmem_shared>>)
      tpu.yield
    }) : () -> ()
    %barrier3A = arith.constant 0 : index
    tpu.barrier barrier_id(%barrier3A)
    %scan3A_35 = arith.constant 0 : i32
    %scan3A_36 = arith.constant 0 : i32
    %scan3A_37 = arith.constant 32 : i32
    %scan3A_38 = arith.addi %scan3A_36, %scan3A_37 : i32
    %scan3A_39 = arith.constant 1 : i32
    scf.for %scan3A_100 = %scan3A_36 to %scan3A_38 step %scan3A_39  : i32 {
      %mul3A_101 = arith.constant 65536 : i32
      %mul3A_102 = arith.muli %arg1, %mul3A_101 : i32
      %mul3A_103 = arith.constant 2048 : i32
      %mul3A_104 = arith.muli %scan3A_100, %mul3A_103 : i32
      %add3A_105 = arith.addi %mul3A_102, %mul3A_104 : i32
      %add3A_106 = arith.constant 0 : i32
      %add3A_107 = arith.addi %add3A_106, %arg0 : i32
      "tpu.region"() ({
        %run_scoped3A = tpu.sem_alloc : memref<!tpu.dma_semaphore, #tpu.memory_space<semaphore_mem>>
        %dma_start3A_112 = tpu.memref_slice %arg3[%add3A_107, %add3A_105] : memref<4x1048576xi32, #tpu.memory_space<hbm>> -> memref<1x2048xi32, #tpu.memory_space<hbm>>
        %dma_start3A_113 = tpu.memref_squeeze %dma_start3A_112 : memref<1x2048xi32, #tpu.memory_space<hbm>> -> memref<2048xi32, #tpu.memory_space<hbm>>
        %dma_start3A_114 = tpu.memref_slice %arg3[%add3A_107, %add3A_105] : memref<4x1048576xi32, #tpu.memory_space<hbm>> -> memref<1x2048xi32, #tpu.memory_space<hbm>>
        %dma_start3A_115 = tpu.memref_squeeze %dma_start3A_114 : memref<1x2048xi32, #tpu.memory_space<hbm>> -> memref<2048xi32, #tpu.memory_space<hbm>>
        tpu.enqueue_dma source(%dma_start3A_115 : memref<2048xi32, #tpu.memory_space<hbm>>) target(%arg8 : memref<2048xi32, #tpu.memory_space<vmem>>) target_semaphore(%run_scoped3A : memref<!tpu.dma_semaphore, #tpu.memory_space<semaphore_mem>>)
        %dma_wait3A_116 = tpu.memref_slice %arg3[%add3A_107, %add3A_105] : memref<4x1048576xi32, #tpu.memory_space<hbm>> -> memref<1x2048xi32, #tpu.memory_space<hbm>>
        %dma_wait3A_117 = tpu.memref_squeeze %dma_wait3A_116 : memref<1x2048xi32, #tpu.memory_space<hbm>> -> memref<2048xi32, #tpu.memory_space<hbm>>
        %dma_wait3A_118 = tpu.memref_slice %arg3[%add3A_107, %add3A_105] : memref<4x1048576xi32, #tpu.memory_space<hbm>> -> memref<1x2048xi32, #tpu.memory_space<hbm>>
        %dma_wait3A_119 = tpu.memref_squeeze %dma_wait3A_118 : memref<1x2048xi32, #tpu.memory_space<hbm>> -> memref<2048xi32, #tpu.memory_space<hbm>>
        tpu.wait_dma2 semaphore(%run_scoped3A : memref<!tpu.dma_semaphore, #tpu.memory_space<semaphore_mem>>) src(%dma_wait3A_119 : memref<2048xi32, #tpu.memory_space<hbm>>) dst(%arg8 : memref<2048xi32, #tpu.memory_space<vmem>>)
        tpu.yield
      }) : () -> ()
      "tpu.region"() ({
        %run_scoped3A = tpu.sem_alloc : memref<!tpu.dma_semaphore, #tpu.memory_space<semaphore_mem>>
        %dma_start3A_112 = tpu.memref_slice %arg4[%add3A_105] : memref<1048576xi32, #tpu.memory_space<hbm>> -> memref<2048xi32, #tpu.memory_space<hbm>>
        %dma_start3A_113 = tpu.memref_slice %arg4[%add3A_105] : memref<1048576xi32, #tpu.memory_space<hbm>> -> memref<2048xi32, #tpu.memory_space<hbm>>
        tpu.enqueue_dma source(%dma_start3A_113 : memref<2048xi32, #tpu.memory_space<hbm>>) target(%arg9 : memref<2048xi32, #tpu.memory_space<vmem>>) target_semaphore(%run_scoped3A : memref<!tpu.dma_semaphore, #tpu.memory_space<semaphore_mem>>)
        %dma_wait3A_114 = tpu.memref_slice %arg4[%add3A_105] : memref<1048576xi32, #tpu.memory_space<hbm>> -> memref<2048xi32, #tpu.memory_space<hbm>>
        %dma_wait3A_115 = tpu.memref_slice %arg4[%add3A_105] : memref<1048576xi32, #tpu.memory_space<hbm>> -> memref<2048xi32, #tpu.memory_space<hbm>>
        tpu.wait_dma2 semaphore(%run_scoped3A : memref<!tpu.dma_semaphore, #tpu.memory_space<semaphore_mem>>) src(%dma_wait3A_115 : memref<2048xi32, #tpu.memory_space<hbm>>) dst(%arg9 : memref<2048xi32, #tpu.memory_space<vmem>>)
        tpu.yield
      }) : () -> ()
      %dma_start3A = arith.constant 0 : i32
      %dma_start3A_108 = arith.constant 0 : i32
      %dma_start3A_109 = tpu.memref_slice %arg2[%dma_start3A, %dma_start3A_108] : memref<262144x16xf32, #tpu.memory_space<hbm>> -> memref<262144x16xf32, #tpu.memory_space<hbm>>
      tpu.enqueue_indirect_dma source(%dma_start3A_109 : memref<262144x16xf32, #tpu.memory_space<hbm>>) target(%arg10 : memref<2048x16xf32, #tpu.memory_space<vmem>>) offsets(%arg8 : memref<2048xi32, #tpu.memory_space<vmem>>) semaphore(%arg11 : memref<!tpu.dma_semaphore, #tpu.memory_space<semaphore_mem>>)
      %dma_wait3A = arith.constant 0 : i32
      %dma_wait3A_110 = arith.constant 0 : i32
      %dma_wait3A_111 = tpu.memref_slice %arg2[%dma_wait3A, %dma_wait3A_110] : memref<262144x16xf32, #tpu.memory_space<hbm>> -> memref<262144x16xf32, #tpu.memory_space<hbm>>
      tpu.wait_indirect_dma semaphore(%arg11 : memref<!tpu.dma_semaphore, #tpu.memory_space<semaphore_mem>>) src(%dma_wait3A_111 : memref<262144x16xf32, #tpu.memory_space<hbm>>) dst(%arg10 : memref<2048x16xf32, #tpu.memory_space<vmem>>)
      "tpu.region"() ({
        %run_scoped3A = tpu.sem_alloc : memref<!tpu.dma_semaphore, #tpu.memory_space<semaphore_mem>>
        %dma_start3A_112 = arith.constant 0 : i32
        %dma_start3A_113 = arith.constant 0 : i32
        %dma_start3A_114 = tpu.memref_slice %arg6[%dma_start3A_112, %dma_start3A_113] : memref<65536x16xf32, #tpu.memory_space<vmem_shared>> -> memref<65536x16xf32, #tpu.memory_space<vmem_shared>>
        tpu.enqueue_indirect_dma source(%arg10 : memref<2048x16xf32, #tpu.memory_space<vmem>>) target(%dma_start3A_114 : memref<65536x16xf32, #tpu.memory_space<vmem_shared>>) offsets(%arg9 : memref<2048xi32, #tpu.memory_space<vmem>>) semaphore(%run_scoped3A : memref<!tpu.dma_semaphore, #tpu.memory_space<semaphore_mem>>) {add = true}
        %dma_wait3A_115 = arith.constant 0 : i32
        %dma_wait3A_116 = arith.constant 0 : i32
        %dma_wait3A_117 = tpu.memref_slice %arg6[%dma_wait3A_115, %dma_wait3A_116] : memref<65536x16xf32, #tpu.memory_space<vmem_shared>> -> memref<65536x16xf32, #tpu.memory_space<vmem_shared>>
        tpu.wait_indirect_dma semaphore(%run_scoped3A : memref<!tpu.dma_semaphore, #tpu.memory_space<semaphore_mem>>) src(%arg10 : memref<2048x16xf32, #tpu.memory_space<vmem>>) dst(%dma_wait3A_117 : memref<65536x16xf32, #tpu.memory_space<vmem_shared>>)
        tpu.yield
      }) : () -> ()
    }
    %scan3A_40 = arith.constant 32 : i32
    %barrier3A_41 = arith.constant 0 : index
    tpu.barrier barrier_id(%barrier3A_41)
    %mul3A_42 = arith.constant 4096 : i32
    %mul3A_43 = arith.muli %arg1, %mul3A_42 : i32
    %mul3A_44 = arith.constant 4096 : i32
    %mul3A_45 = arith.muli %arg1, %mul3A_44 : i32
    %add3A_46 = arith.constant 0 : i32
    %add3A_47 = arith.addi %add3A_46, %arg0 : i32
    %mul3A_48 = arith.constant 16 : i32
    %mul3A_49 = arith.muli %mul3A_48, %add3A_47 : i32
    "tpu.region"() ({
      %run_scoped3A = tpu.sem_alloc : memref<!tpu.dma_semaphore, #tpu.memory_space<semaphore_mem>>
      %dma_start3A = tpu.memref_slice %arg5[%mul3A_45, %mul3A_49] : memref<65536x64xf32, #tpu.memory_space<hbm>> -> memref<4096x16xf32, #tpu.memory_space<hbm>>
      %dma_start3A_100 = arith.constant 0 : i32
      %dma_start3A_101 = tpu.memref_slice %arg6[%mul3A_43, %dma_start3A_100] : memref<65536x16xf32, #tpu.memory_space<vmem_shared>> -> memref<4096x16xf32, #tpu.memory_space<vmem_shared>>
      tpu.enqueue_dma source(%dma_start3A_101 : memref<4096x16xf32, #tpu.memory_space<vmem_shared>>) target(%dma_start3A : memref<4096x16xf32, #tpu.memory_space<hbm>>) target_semaphore(%run_scoped3A : memref<!tpu.dma_semaphore, #tpu.memory_space<semaphore_mem>>)
      %dma_wait3A = tpu.memref_slice %arg5[%mul3A_45, %mul3A_49] : memref<65536x64xf32, #tpu.memory_space<hbm>> -> memref<4096x16xf32, #tpu.memory_space<hbm>>
      %dma_wait3A_102 = arith.constant 0 : i32
      %dma_wait3A_103 = tpu.memref_slice %arg6[%mul3A_43, %dma_wait3A_102] : memref<65536x16xf32, #tpu.memory_space<vmem_shared>> -> memref<4096x16xf32, #tpu.memory_space<vmem_shared>>
      tpu.wait_dma2 semaphore(%run_scoped3A : memref<!tpu.dma_semaphore, #tpu.memory_space<semaphore_mem>>) src(%dma_wait3A_103 : memref<4096x16xf32, #tpu.memory_space<vmem_shared>>) dst(%dma_wait3A : memref<4096x16xf32, #tpu.memory_space<hbm>>)
      tpu.yield
    }) : () -> ()
    %barrier3A_50 = arith.constant 0 : index
    tpu.barrier barrier_id(%barrier3A_50)
    %mul3A_51 = arith.constant 4096 : i32
    %mul3A_52 = arith.muli %arg1, %mul3A_51 : i32
    %add3A_53 = arith.constant 0 : i32
    %add3A_54 = arith.addi %mul3A_52, %add3A_53 : i32
    "tpu.region"() ({
      %run_scoped3A = tpu.sem_alloc : memref<!tpu.dma_semaphore, #tpu.memory_space<semaphore_mem>>
      %dma_start3A = arith.constant 0 : i32
      %dma_start3A_100 = tpu.memref_slice %arg6[%add3A_54, %dma_start3A] : memref<65536x16xf32, #tpu.memory_space<vmem_shared>> -> memref<512x16xf32, #tpu.memory_space<vmem_shared>>
      %dma_start3A_101 = arith.constant 0 : i32
      %dma_start3A_102 = tpu.memref_slice %arg6[%add3A_54, %dma_start3A_101] : memref<65536x16xf32, #tpu.memory_space<vmem_shared>> -> memref<512x16xf32, #tpu.memory_space<vmem_shared>>
      tpu.enqueue_dma source(%arg7 : memref<512x16xf32, #tpu.memory_space<vmem>>) target(%dma_start3A_102 : memref<512x16xf32, #tpu.memory_space<vmem_shared>>) target_semaphore(%run_scoped3A : memref<!tpu.dma_semaphore, #tpu.memory_space<semaphore_mem>>)
      %dma_wait3A = arith.constant 0 : i32
      %dma_wait3A_103 = tpu.memref_slice %arg6[%add3A_54, %dma_wait3A] : memref<65536x16xf32, #tpu.memory_space<vmem_shared>> -> memref<512x16xf32, #tpu.memory_space<vmem_shared>>
      %dma_wait3A_104 = arith.constant 0 : i32
      %dma_wait3A_105 = tpu.memref_slice %arg6[%add3A_54, %dma_wait3A_104] : memref<65536x16xf32, #tpu.memory_space<vmem_shared>> -> memref<512x16xf32, #tpu.memory_space<vmem_shared>>
      tpu.wait_dma2 semaphore(%run_scoped3A : memref<!tpu.dma_semaphore, #tpu.memory_space<semaphore_mem>>) src(%arg7 : memref<512x16xf32, #tpu.memory_space<vmem>>) dst(%dma_wait3A_105 : memref<512x16xf32, #tpu.memory_space<vmem_shared>>)
      tpu.yield
    }) : () -> ()
    %mul3A_55 = arith.constant 4096 : i32
    %mul3A_56 = arith.muli %arg1, %mul3A_55 : i32
    %add3A_57 = arith.constant 512 : i32
    %add3A_58 = arith.addi %mul3A_56, %add3A_57 : i32
    "tpu.region"() ({
      %run_scoped3A = tpu.sem_alloc : memref<!tpu.dma_semaphore, #tpu.memory_space<semaphore_mem>>
      %dma_start3A = arith.constant 0 : i32
      %dma_start3A_100 = tpu.memref_slice %arg6[%add3A_58, %dma_start3A] : memref<65536x16xf32, #tpu.memory_space<vmem_shared>> -> memref<512x16xf32, #tpu.memory_space<vmem_shared>>
      %dma_start3A_101 = arith.constant 0 : i32
      %dma_start3A_102 = tpu.memref_slice %arg6[%add3A_58, %dma_start3A_101] : memref<65536x16xf32, #tpu.memory_space<vmem_shared>> -> memref<512x16xf32, #tpu.memory_space<vmem_shared>>
      tpu.enqueue_dma source(%arg7 : memref<512x16xf32, #tpu.memory_space<vmem>>) target(%dma_start3A_102 : memref<512x16xf32, #tpu.memory_space<vmem_shared>>) target_semaphore(%run_scoped3A : memref<!tpu.dma_semaphore, #tpu.memory_space<semaphore_mem>>)
      %dma_wait3A = arith.constant 0 : i32
      %dma_wait3A_103 = tpu.memref_slice %arg6[%add3A_58, %dma_wait3A] : memref<65536x16xf32, #tpu.memory_space<vmem_shared>> -> memref<512x16xf32, #tpu.memory_space<vmem_shared>>
      %dma_wait3A_104 = arith.constant 0 : i32
      %dma_wait3A_105 = tpu.memref_slice %arg6[%add3A_58, %dma_wait3A_104] : memref<65536x16xf32, #tpu.memory_space<vmem_shared>> -> memref<512x16xf32, #tpu.memory_space<vmem_shared>>
      tpu.wait_dma2 semaphore(%run_scoped3A : memref<!tpu.dma_semaphore, #tpu.memory_space<semaphore_mem>>) src(%arg7 : memref<512x16xf32, #tpu.memory_space<vmem>>) dst(%dma_wait3A_105 : memref<512x16xf32, #tpu.memory_space<vmem_shared>>)
      tpu.yield
    }) : () -> ()
    %mul3A_59 = arith.constant 4096 : i32
    %mul3A_60 = arith.muli %arg1, %mul3A_59 : i32
    %add3A_61 = arith.constant 1024 : i32
    %add3A_62 = arith.addi %mul3A_60, %add3A_61 : i32
    "tpu.region"() ({
      %run_scoped3A = tpu.sem_alloc : memref<!tpu.dma_semaphore, #tpu.memory_space<semaphore_mem>>
      %dma_start3A = arith.constant 0 : i32
      %dma_start3A_100 = tpu.memref_slice %arg6[%add3A_62, %dma_start3A] : memref<65536x16xf32, #tpu.memory_space<vmem_shared>> -> memref<512x16xf32, #tpu.memory_space<vmem_shared>>
      %dma_start3A_101 = arith.constant 0 : i32
      %dma_start3A_102 = tpu.memref_slice %arg6[%add3A_62, %dma_start3A_101] : memref<65536x16xf32, #tpu.memory_space<vmem_shared>> -> memref<512x16xf32, #tpu.memory_space<vmem_shared>>
      tpu.enqueue_dma source(%arg7 : memref<512x16xf32, #tpu.memory_space<vmem>>) target(%dma_start3A_102 : memref<512x16xf32, #tpu.memory_space<vmem_shared>>) target_semaphore(%run_scoped3A : memref<!tpu.dma_semaphore, #tpu.memory_space<semaphore_mem>>)
      %dma_wait3A = arith.constant 0 : i32
      %dma_wait3A_103 = tpu.memref_slice %arg6[%add3A_62, %dma_wait3A] : memref<65536x16xf32, #tpu.memory_space<vmem_shared>> -> memref<512x16xf32, #tpu.memory_space<vmem_shared>>
      %dma_wait3A_104 = arith.constant 0 : i32
      %dma_wait3A_105 = tpu.memref_slice %arg6[%add3A_62, %dma_wait3A_104] : memref<65536x16xf32, #tpu.memory_space<vmem_shared>> -> memref<512x16xf32, #tpu.memory_space<vmem_shared>>
      tpu.wait_dma2 semaphore(%run_scoped3A : memref<!tpu.dma_semaphore, #tpu.memory_space<semaphore_mem>>) src(%arg7 : memref<512x16xf32, #tpu.memory_space<vmem>>) dst(%dma_wait3A_105 : memref<512x16xf32, #tpu.memory_space<vmem_shared>>)
      tpu.yield
    }) : () -> ()
    %mul3A_63 = arith.constant 4096 : i32
    %mul3A_64 = arith.muli %arg1, %mul3A_63 : i32
    %add3A_65 = arith.constant 1536 : i32
    %add3A_66 = arith.addi %mul3A_64, %add3A_65 : i32
    "tpu.region"() ({
      %run_scoped3A = tpu.sem_alloc : memref<!tpu.dma_semaphore, #tpu.memory_space<semaphore_mem>>
      %dma_start3A = arith.constant 0 : i32
      %dma_start3A_100 = tpu.memref_slice %arg6[%add3A_66, %dma_start3A] : memref<65536x16xf32, #tpu.memory_space<vmem_shared>> -> memref<512x16xf32, #tpu.memory_space<vmem_shared>>
      %dma_start3A_101 = arith.constant 0 : i32
      %dma_start3A_102 = tpu.memref_slice %arg6[%add3A_66, %dma_start3A_101] : memref<65536x16xf32, #tpu.memory_space<vmem_shared>> -> memref<512x16xf32, #tpu.memory_space<vmem_shared>>
      tpu.enqueue_dma source(%arg7 : memref<512x16xf32, #tpu.memory_space<vmem>>) target(%dma_start3A_102 : memref<512x16xf32, #tpu.memory_space<vmem_shared>>) target_semaphore(%run_scoped3A : memref<!tpu.dma_semaphore, #tpu.memory_space<semaphore_mem>>)
      %dma_wait3A = arith.constant 0 : i32
      %dma_wait3A_103 = tpu.memref_slice %arg6[%add3A_66, %dma_wait3A] : memref<65536x16xf32, #tpu.memory_space<vmem_shared>> -> memref<512x16xf32, #tpu.memory_space<vmem_shared>>
      %dma_wait3A_104 = arith.constant 0 : i32
      %dma_wait3A_105 = tpu.memref_slice %arg6[%add3A_66, %dma_wait3A_104] : memref<65536x16xf32, #tpu.memory_space<vmem_shared>> -> memref<512x16xf32, #tpu.memory_space<vmem_shared>>
      tpu.wait_dma2 semaphore(%run_scoped3A : memref<!tpu.dma_semaphore, #tpu.memory_space<semaphore_mem>>) src(%arg7 : memref<512x16xf32, #tpu.memory_space<vmem>>) dst(%dma_wait3A_105 : memref<512x16xf32, #tpu.memory_space<vmem_shared>>)
      tpu.yield
    }) : () -> ()
    %mul3A_67 = arith.constant 4096 : i32
    %mul3A_68 = arith.muli %arg1, %mul3A_67 : i32
    %add3A_69 = arith.constant 2048 : i32
    %add3A_70 = arith.addi %mul3A_68, %add3A_69 : i32
    "tpu.region"() ({
      %run_scoped3A = tpu.sem_alloc : memref<!tpu.dma_semaphore, #tpu.memory_space<semaphore_mem>>
      %dma_start3A = arith.constant 0 : i32
      %dma_start3A_100 = tpu.memref_slice %arg6[%add3A_70, %dma_start3A] : memref<65536x16xf32, #tpu.memory_space<vmem_shared>> -> memref<512x16xf32, #tpu.memory_space<vmem_shared>>
      %dma_start3A_101 = arith.constant 0 : i32
      %dma_start3A_102 = tpu.memref_slice %arg6[%add3A_70, %dma_start3A_101] : memref<65536x16xf32, #tpu.memory_space<vmem_shared>> -> memref<512x16xf32, #tpu.memory_space<vmem_shared>>
      tpu.enqueue_dma source(%arg7 : memref<512x16xf32, #tpu.memory_space<vmem>>) target(%dma_start3A_102 : memref<512x16xf32, #tpu.memory_space<vmem_shared>>) target_semaphore(%run_scoped3A : memref<!tpu.dma_semaphore, #tpu.memory_space<semaphore_mem>>)
      %dma_wait3A = arith.constant 0 : i32
      %dma_wait3A_103 = tpu.memref_slice %arg6[%add3A_70, %dma_wait3A] : memref<65536x16xf32, #tpu.memory_space<vmem_shared>> -> memref<512x16xf32, #tpu.memory_space<vmem_shared>>
      %dma_wait3A_104 = arith.constant 0 : i32
      %dma_wait3A_105 = tpu.memref_slice %arg6[%add3A_70, %dma_wait3A_104] : memref<65536x16xf32, #tpu.memory_space<vmem_shared>> -> memref<512x16xf32, #tpu.memory_space<vmem_shared>>
      tpu.wait_dma2 semaphore(%run_scoped3A : memref<!tpu.dma_semaphore, #tpu.memory_space<semaphore_mem>>) src(%arg7 : memref<512x16xf32, #tpu.memory_space<vmem>>) dst(%dma_wait3A_105 : memref<512x16xf32, #tpu.memory_space<vmem_shared>>)
      tpu.yield
    }) : () -> ()
    %mul3A_71 = arith.constant 4096 : i32
    %mul3A_72 = arith.muli %arg1, %mul3A_71 : i32
    %add3A_73 = arith.constant 2560 : i32
    %add3A_74 = arith.addi %mul3A_72, %add3A_73 : i32
    "tpu.region"() ({
      %run_scoped3A = tpu.sem_alloc : memref<!tpu.dma_semaphore, #tpu.memory_space<semaphore_mem>>
      %dma_start3A = arith.constant 0 : i32
      %dma_start3A_100 = tpu.memref_slice %arg6[%add3A_74, %dma_start3A] : memref<65536x16xf32, #tpu.memory_space<vmem_shared>> -> memref<512x16xf32, #tpu.memory_space<vmem_shared>>
      %dma_start3A_101 = arith.constant 0 : i32
      %dma_start3A_102 = tpu.memref_slice %arg6[%add3A_74, %dma_start3A_101] : memref<65536x16xf32, #tpu.memory_space<vmem_shared>> -> memref<512x16xf32, #tpu.memory_space<vmem_shared>>
      tpu.enqueue_dma source(%arg7 : memref<512x16xf32, #tpu.memory_space<vmem>>) target(%dma_start3A_102 : memref<512x16xf32, #tpu.memory_space<vmem_shared>>) target_semaphore(%run_scoped3A : memref<!tpu.dma_semaphore, #tpu.memory_space<semaphore_mem>>)
      %dma_wait3A = arith.constant 0 : i32
      %dma_wait3A_103 = tpu.memref_slice %arg6[%add3A_74, %dma_wait3A] : memref<65536x16xf32, #tpu.memory_space<vmem_shared>> -> memref<512x16xf32, #tpu.memory_space<vmem_shared>>
      %dma_wait3A_104 = arith.constant 0 : i32
      %dma_wait3A_105 = tpu.memref_slice %arg6[%add3A_74, %dma_wait3A_104] : memref<65536x16xf32, #tpu.memory_space<vmem_shared>> -> memref<512x16xf32, #tpu.memory_space<vmem_shared>>
      tpu.wait_dma2 semaphore(%run_scoped3A : memref<!tpu.dma_semaphore, #tpu.memory_space<semaphore_mem>>) src(%arg7 : memref<512x16xf32, #tpu.memory_space<vmem>>) dst(%dma_wait3A_105 : memref<512x16xf32, #tpu.memory_space<vmem_shared>>)
      tpu.yield
    }) : () -> ()
    %mul3A_75 = arith.constant 4096 : i32
    %mul3A_76 = arith.muli %arg1, %mul3A_75 : i32
    %add3A_77 = arith.constant 3072 : i32
    %add3A_78 = arith.addi %mul3A_76, %add3A_77 : i32
    "tpu.region"() ({
      %run_scoped3A = tpu.sem_alloc : memref<!tpu.dma_semaphore, #tpu.memory_space<semaphore_mem>>
      %dma_start3A = arith.constant 0 : i32
      %dma_start3A_100 = tpu.memref_slice %arg6[%add3A_78, %dma_start3A] : memref<65536x16xf32, #tpu.memory_space<vmem_shared>> -> memref<512x16xf32, #tpu.memory_space<vmem_shared>>
      %dma_start3A_101 = arith.constant 0 : i32
      %dma_start3A_102 = tpu.memref_slice %arg6[%add3A_78, %dma_start3A_101] : memref<65536x16xf32, #tpu.memory_space<vmem_shared>> -> memref<512x16xf32, #tpu.memory_space<vmem_shared>>
      tpu.enqueue_dma source(%arg7 : memref<512x16xf32, #tpu.memory_space<vmem>>) target(%dma_start3A_102 : memref<512x16xf32, #tpu.memory_space<vmem_shared>>) target_semaphore(%run_scoped3A : memref<!tpu.dma_semaphore, #tpu.memory_space<semaphore_mem>>)
      %dma_wait3A = arith.constant 0 : i32
      %dma_wait3A_103 = tpu.memref_slice %arg6[%add3A_78, %dma_wait3A] : memref<65536x16xf32, #tpu.memory_space<vmem_shared>> -> memref<512x16xf32, #tpu.memory_space<vmem_shared>>
      %dma_wait3A_104 = arith.constant 0 : i32
      %dma_wait3A_105 = tpu.memref_slice %arg6[%add3A_78, %dma_wait3A_104] : memref<65536x16xf32, #tpu.memory_space<vmem_shared>> -> memref<512x16xf32, #tpu.memory_space<vmem_shared>>
      tpu.wait_dma2 semaphore(%run_scoped3A : memref<!tpu.dma_semaphore, #tpu.memory_space<semaphore_mem>>) src(%arg7 : memref<512x16xf32, #tpu.memory_space<vmem>>) dst(%dma_wait3A_105 : memref<512x16xf32, #tpu.memory_space<vmem_shared>>)
      tpu.yield
    }) : () -> ()
    %mul3A_79 = arith.constant 4096 : i32
    %mul3A_80 = arith.muli %arg1, %mul3A_79 : i32
    %add3A_81 = arith.constant 3584 : i32
    %add3A_82 = arith.addi %mul3A_80, %add3A_81 : i32
    "tpu.region"() ({
      %run_scoped3A = tpu.sem_alloc : memref<!tpu.dma_semaphore, #tpu.memory_space<semaphore_mem>>
      %dma_start3A = arith.constant 0 : i32
      %dma_start3A_100 = tpu.memref_slice %arg6[%add3A_82, %dma_start3A] : memref<65536x16xf32, #tpu.memory_space<vmem_shared>> -> memref<512x16xf32, #tpu.memory_space<vmem_shared>>
      %dma_start3A_101 = arith.constant 0 : i32
      %dma_start3A_102 = tpu.memref_slice %arg6[%add3A_82, %dma_start3A_101] : memref<65536x16xf32, #tpu.memory_space<vmem_shared>> -> memref<512x16xf32, #tpu.memory_space<vmem_shared>>
      tpu.enqueue_dma source(%arg7 : memref<512x16xf32, #tpu.memory_space<vmem>>) target(%dma_start3A_102 : memref<512x16xf32, #tpu.memory_space<vmem_shared>>) target_semaphore(%run_scoped3A : memref<!tpu.dma_semaphore, #tpu.memory_space<semaphore_mem>>)
      %dma_wait3A = arith.constant 0 : i32
      %dma_wait3A_103 = tpu.memref_slice %arg6[%add3A_82, %dma_wait3A] : memref<65536x16xf32, #tpu.memory_space<vmem_shared>> -> memref<512x16xf32, #tpu.memory_space<vmem_shared>>
      %dma_wait3A_104 = arith.constant 0 : i32
      %dma_wait3A_105 = tpu.memref_slice %arg6[%add3A_82, %dma_wait3A_104] : memref<65536x16xf32, #tpu.memory_space<vmem_shared>> -> memref<512x16xf32, #tpu.memory_space<vmem_shared>>
      tpu.wait_dma2 semaphore(%run_scoped3A : memref<!tpu.dma_semaphore, #tpu.memory_space<semaphore_mem>>) src(%arg7 : memref<512x16xf32, #tpu.memory_space<vmem>>) dst(%dma_wait3A_105 : memref<512x16xf32, #tpu.memory_space<vmem_shared>>)
      tpu.yield
    }) : () -> ()
    %barrier3A_83 = arith.constant 0 : index
    tpu.barrier barrier_id(%barrier3A_83)
    %scan3A_84 = arith.constant 0 : i32
    %scan3A_85 = arith.constant 0 : i32
    %scan3A_86 = arith.constant 32 : i32
    %scan3A_87 = arith.addi %scan3A_85, %scan3A_86 : i32
    %scan3A_88 = arith.constant 1 : i32
    scf.for %scan3A_100 = %scan3A_85 to %scan3A_87 step %scan3A_88  : i32 {
      %mul3A_101 = arith.constant 65536 : i32
      %mul3A_102 = arith.muli %arg1, %mul3A_101 : i32
      %mul3A_103 = arith.constant 2048 : i32
      %mul3A_104 = arith.muli %scan3A_100, %mul3A_103 : i32
      %add3A_105 = arith.addi %mul3A_102, %mul3A_104 : i32
      %add3A_106 = arith.constant 2 : i32
      %add3A_107 = arith.addi %add3A_106, %arg0 : i32
      "tpu.region"() ({
        %run_scoped3A = tpu.sem_alloc : memref<!tpu.dma_semaphore, #tpu.memory_space<semaphore_mem>>
        %dma_start3A_112 = tpu.memref_slice %arg3[%add3A_107, %add3A_105] : memref<4x1048576xi32, #tpu.memory_space<hbm>> -> memref<1x2048xi32, #tpu.memory_space<hbm>>
        %dma_start3A_113 = tpu.memref_squeeze %dma_start3A_112 : memref<1x2048xi32, #tpu.memory_space<hbm>> -> memref<2048xi32, #tpu.memory_space<hbm>>
        %dma_start3A_114 = tpu.memref_slice %arg3[%add3A_107, %add3A_105] : memref<4x1048576xi32, #tpu.memory_space<hbm>> -> memref<1x2048xi32, #tpu.memory_space<hbm>>
        %dma_start3A_115 = tpu.memref_squeeze %dma_start3A_114 : memref<1x2048xi32, #tpu.memory_space<hbm>> -> memref<2048xi32, #tpu.memory_space<hbm>>
        tpu.enqueue_dma source(%dma_start3A_115 : memref<2048xi32, #tpu.memory_space<hbm>>) target(%arg8 : memref<2048xi32, #tpu.memory_space<vmem>>) target_semaphore(%run_scoped3A : memref<!tpu.dma_semaphore, #tpu.memory_space<semaphore_mem>>)
        %dma_wait3A_116 = tpu.memref_slice %arg3[%add3A_107, %add3A_105] : memref<4x1048576xi32, #tpu.memory_space<hbm>> -> memref<1x2048xi32, #tpu.memory_space<hbm>>
        %dma_wait3A_117 = tpu.memref_squeeze %dma_wait3A_116 : memref<1x2048xi32, #tpu.memory_space<hbm>> -> memref<2048xi32, #tpu.memory_space<hbm>>
        %dma_wait3A_118 = tpu.memref_slice %arg3[%add3A_107, %add3A_105] : memref<4x1048576xi32, #tpu.memory_space<hbm>> -> memref<1x2048xi32, #tpu.memory_space<hbm>>
        %dma_wait3A_119 = tpu.memref_squeeze %dma_wait3A_118 : memref<1x2048xi32, #tpu.memory_space<hbm>> -> memref<2048xi32, #tpu.memory_space<hbm>>
        tpu.wait_dma2 semaphore(%run_scoped3A : memref<!tpu.dma_semaphore, #tpu.memory_space<semaphore_mem>>) src(%dma_wait3A_119 : memref<2048xi32, #tpu.memory_space<hbm>>) dst(%arg8 : memref<2048xi32, #tpu.memory_space<vmem>>)
        tpu.yield
      }) : () -> ()
      "tpu.region"() ({
        %run_scoped3A = tpu.sem_alloc : memref<!tpu.dma_semaphore, #tpu.memory_space<semaphore_mem>>
        %dma_start3A_112 = tpu.memref_slice %arg4[%add3A_105] : memref<1048576xi32, #tpu.memory_space<hbm>> -> memref<2048xi32, #tpu.memory_space<hbm>>
        %dma_start3A_113 = tpu.memref_slice %arg4[%add3A_105] : memref<1048576xi32, #tpu.memory_space<hbm>> -> memref<2048xi32, #tpu.memory_space<hbm>>
        tpu.enqueue_dma source(%dma_start3A_113 : memref<2048xi32, #tpu.memory_space<hbm>>) target(%arg9 : memref<2048xi32, #tpu.memory_space<vmem>>) target_semaphore(%run_scoped3A : memref<!tpu.dma_semaphore, #tpu.memory_space<semaphore_mem>>)
        %dma_wait3A_114 = tpu.memref_slice %arg4[%add3A_105] : memref<1048576xi32, #tpu.memory_space<hbm>> -> memref<2048xi32, #tpu.memory_space<hbm>>
        %dma_wait3A_115 = tpu.memref_slice %arg4[%add3A_105] : memref<1048576xi32, #tpu.memory_space<hbm>> -> memref<2048xi32, #tpu.memory_space<hbm>>
        tpu.wait_dma2 semaphore(%run_scoped3A : memref<!tpu.dma_semaphore, #tpu.memory_space<semaphore_mem>>) src(%dma_wait3A_115 : memref<2048xi32, #tpu.memory_space<hbm>>) dst(%arg9 : memref<2048xi32, #tpu.memory_space<vmem>>)
        tpu.yield
      }) : () -> ()
      %dma_start3A = arith.constant 0 : i32
      %dma_start3A_108 = arith.constant 0 : i32
      %dma_start3A_109 = tpu.memref_slice %arg2[%dma_start3A, %dma_start3A_108] : memref<262144x16xf32, #tpu.memory_space<hbm>> -> memref<262144x16xf32, #tpu.memory_space<hbm>>
      tpu.enqueue_indirect_dma source(%dma_start3A_109 : memref<262144x16xf32, #tpu.memory_space<hbm>>) target(%arg10 : memref<2048x16xf32, #tpu.memory_space<vmem>>) offsets(%arg8 : memref<2048xi32, #tpu.memory_space<vmem>>) semaphore(%arg11 : memref<!tpu.dma_semaphore, #tpu.memory_space<semaphore_mem>>)
      %dma_wait3A = arith.constant 0 : i32
      %dma_wait3A_110 = arith.constant 0 : i32
      %dma_wait3A_111 = tpu.memref_slice %arg2[%dma_wait3A, %dma_wait3A_110] : memref<262144x16xf32, #tpu.memory_space<hbm>> -> memref<262144x16xf32, #tpu.memory_space<hbm>>
      tpu.wait_indirect_dma semaphore(%arg11 : memref<!tpu.dma_semaphore, #tpu.memory_space<semaphore_mem>>) src(%dma_wait3A_111 : memref<262144x16xf32, #tpu.memory_space<hbm>>) dst(%arg10 : memref<2048x16xf32, #tpu.memory_space<vmem>>)
      "tpu.region"() ({
        %run_scoped3A = tpu.sem_alloc : memref<!tpu.dma_semaphore, #tpu.memory_space<semaphore_mem>>
        %dma_start3A_112 = arith.constant 0 : i32
        %dma_start3A_113 = arith.constant 0 : i32
        %dma_start3A_114 = tpu.memref_slice %arg6[%dma_start3A_112, %dma_start3A_113] : memref<65536x16xf32, #tpu.memory_space<vmem_shared>> -> memref<65536x16xf32, #tpu.memory_space<vmem_shared>>
        tpu.enqueue_indirect_dma source(%arg10 : memref<2048x16xf32, #tpu.memory_space<vmem>>) target(%dma_start3A_114 : memref<65536x16xf32, #tpu.memory_space<vmem_shared>>) offsets(%arg9 : memref<2048xi32, #tpu.memory_space<vmem>>) semaphore(%run_scoped3A : memref<!tpu.dma_semaphore, #tpu.memory_space<semaphore_mem>>) {add = true}
        %dma_wait3A_115 = arith.constant 0 : i32
        %dma_wait3A_116 = arith.constant 0 : i32
        %dma_wait3A_117 = tpu.memref_slice %arg6[%dma_wait3A_115, %dma_wait3A_116] : memref<65536x16xf32, #tpu.memory_space<vmem_shared>> -> memref<65536x16xf32, #tpu.memory_space<vmem_shared>>
        tpu.wait_indirect_dma semaphore(%run_scoped3A : memref<!tpu.dma_semaphore, #tpu.memory_space<semaphore_mem>>) src(%arg10 : memref<2048x16xf32, #tpu.memory_space<vmem>>) dst(%dma_wait3A_117 : memref<65536x16xf32, #tpu.memory_space<vmem_shared>>)
        tpu.yield
      }) : () -> ()
    }
    %scan3A_89 = arith.constant 32 : i32
    %barrier3A_90 = arith.constant 0 : index
    tpu.barrier barrier_id(%barrier3A_90)
    %mul3A_91 = arith.constant 4096 : i32
    %mul3A_92 = arith.muli %arg1, %mul3A_91 : i32
    %mul3A_93 = arith.constant 4096 : i32
    %mul3A_94 = arith.muli %arg1, %mul3A_93 : i32
    %add3A_95 = arith.constant 2 : i32
    %add3A_96 = arith.addi %add3A_95, %arg0 : i32
    %mul3A_97 = arith.constant 16 : i32
    %mul3A_98 = arith.muli %mul3A_97, %add3A_96 : i32
    "tpu.region"() ({
      %run_scoped3A = tpu.sem_alloc : memref<!tpu.dma_semaphore, #tpu.memory_space<semaphore_mem>>
      %dma_start3A = tpu.memref_slice %arg5[%mul3A_94, %mul3A_98] : memref<65536x64xf32, #tpu.memory_space<hbm>> -> memref<4096x16xf32, #tpu.memory_space<hbm>>
      %dma_start3A_100 = arith.constant 0 : i32
      %dma_start3A_101 = tpu.memref_slice %arg6[%mul3A_92, %dma_start3A_100] : memref<65536x16xf32, #tpu.memory_space<vmem_shared>> -> memref<4096x16xf32, #tpu.memory_space<vmem_shared>>
      tpu.enqueue_dma source(%dma_start3A_101 : memref<4096x16xf32, #tpu.memory_space<vmem_shared>>) target(%dma_start3A : memref<4096x16xf32, #tpu.memory_space<hbm>>) target_semaphore(%run_scoped3A : memref<!tpu.dma_semaphore, #tpu.memory_space<semaphore_mem>>)
      %dma_wait3A = tpu.memref_slice %arg5[%mul3A_94, %mul3A_98] : memref<65536x64xf32, #tpu.memory_space<hbm>> -> memref<4096x16xf32, #tpu.memory_space<hbm>>
      %dma_wait3A_102 = arith.constant 0 : i32
      %dma_wait3A_103 = tpu.memref_slice %arg6[%mul3A_92, %dma_wait3A_102] : memref<65536x16xf32, #tpu.memory_space<vmem_shared>> -> memref<4096x16xf32, #tpu.memory_space<vmem_shared>>
      tpu.wait_dma2 semaphore(%run_scoped3A : memref<!tpu.dma_semaphore, #tpu.memory_space<semaphore_mem>>) src(%dma_wait3A_103 : memref<4096x16xf32, #tpu.memory_space<vmem_shared>>) dst(%dma_wait3A : memref<4096x16xf32, #tpu.memory_space<hbm>>)
      tpu.yield
    }) : () -> ()
    %barrier3A_99 = arith.constant 0 : index
    tpu.barrier barrier_id(%barrier3A_99)
    return
  }
}

#map = affine_map<(d0, d1) -> (0, 0)>
#map1 = affine_map<(d0, d1) -> (0)>
module attributes {stable_mosaic.version = 14 : i64} {
  func.func @body(%arg0: i32, %arg1: i32, %arg2: memref<3200x64xf32, #tpu.memory_space<hbm>>, %arg3: memref<65536xi32, #tpu.memory_space<hbm>>, %arg4: memref<65536x64xf32, #tpu.memory_space<hbm>>, %arg5: memref<1024xi32, #tpu.memory_space<vmem>>, %arg6: memref<1024x64xf32, #tpu.memory_space<vmem>>, %arg7: memref<!tpu.dma_semaphore, #tpu.memory_space<semaphore_mem>>) attributes {dimension_semantics = [#tpu.dimension_semantics<core_parallel>, #tpu.dimension_semantics<subcore_parallel>], iteration_bounds = array<i64: 2, 16>, scalar_prefetch = 0 : i64, scratch_operands = 3 : i64, tpu.core_type = #tpu.core_type<sc_vector_subcore>, window_params = [{transform_indices = #map}, {transform_indices = #map1}, {transform_indices = #map}]} {
    %mul3A = arith.constant 2 : i32
    %mul3A_0 = arith.muli %arg1, %mul3A : i32
    %add3A = arith.addi %mul3A_0, %arg0 : i32
    %mul3A_1 = arith.constant 2048 : i32
    %mul3A_2 = arith.muli %add3A, %mul3A_1 : i32
    %add3A_3 = arith.constant 0 : i32
    %add3A_4 = arith.addi %mul3A_2, %add3A_3 : i32
    "tpu.region"() ({
      %run_scoped3A = tpu.sem_alloc : memref<!tpu.dma_semaphore, #tpu.memory_space<semaphore_mem>>
      %dma_start3A_17 = tpu.memref_slice %arg3[%add3A_4] : memref<65536xi32, #tpu.memory_space<hbm>> -> memref<1024xi32, #tpu.memory_space<hbm>>
      %dma_start3A_18 = tpu.memref_slice %arg3[%add3A_4] : memref<65536xi32, #tpu.memory_space<hbm>> -> memref<1024xi32, #tpu.memory_space<hbm>>
      tpu.enqueue_dma source(%dma_start3A_18 : memref<1024xi32, #tpu.memory_space<hbm>>) target(%arg5 : memref<1024xi32, #tpu.memory_space<vmem>>) target_semaphore(%run_scoped3A : memref<!tpu.dma_semaphore, #tpu.memory_space<semaphore_mem>>)
      %dma_wait3A_19 = tpu.memref_slice %arg3[%add3A_4] : memref<65536xi32, #tpu.memory_space<hbm>> -> memref<1024xi32, #tpu.memory_space<hbm>>
      %dma_wait3A_20 = tpu.memref_slice %arg3[%add3A_4] : memref<65536xi32, #tpu.memory_space<hbm>> -> memref<1024xi32, #tpu.memory_space<hbm>>
      tpu.wait_dma2 semaphore(%run_scoped3A : memref<!tpu.dma_semaphore, #tpu.memory_space<semaphore_mem>>) src(%dma_wait3A_20 : memref<1024xi32, #tpu.memory_space<hbm>>) dst(%arg5 : memref<1024xi32, #tpu.memory_space<vmem>>)
      tpu.yield
    }) : () -> ()
    %dma_start3A = arith.constant 0 : i32
    %dma_start3A_5 = arith.constant 0 : i32
    %dma_start3A_6 = tpu.memref_slice %arg2[%dma_start3A, %dma_start3A_5] : memref<3200x64xf32, #tpu.memory_space<hbm>> -> memref<3200x64xf32, #tpu.memory_space<hbm>>
    tpu.enqueue_indirect_dma source(%dma_start3A_6 : memref<3200x64xf32, #tpu.memory_space<hbm>>) target(%arg6 : memref<1024x64xf32, #tpu.memory_space<vmem>>) offsets(%arg5 : memref<1024xi32, #tpu.memory_space<vmem>>) semaphore(%arg7 : memref<!tpu.dma_semaphore, #tpu.memory_space<semaphore_mem>>)
    %dma_wait3A = arith.constant 0 : i32
    %dma_wait3A_7 = arith.constant 0 : i32
    %dma_wait3A_8 = tpu.memref_slice %arg2[%dma_wait3A, %dma_wait3A_7] : memref<3200x64xf32, #tpu.memory_space<hbm>> -> memref<3200x64xf32, #tpu.memory_space<hbm>>
    tpu.wait_indirect_dma semaphore(%arg7 : memref<!tpu.dma_semaphore, #tpu.memory_space<semaphore_mem>>) src(%dma_wait3A_8 : memref<3200x64xf32, #tpu.memory_space<hbm>>) dst(%arg6 : memref<1024x64xf32, #tpu.memory_space<vmem>>)
    "tpu.region"() ({
      %run_scoped3A = tpu.sem_alloc : memref<!tpu.dma_semaphore, #tpu.memory_space<semaphore_mem>>
      %dma_start3A_17 = arith.constant 0 : i32
      %dma_start3A_18 = tpu.memref_slice %arg4[%add3A_4, %dma_start3A_17] : memref<65536x64xf32, #tpu.memory_space<hbm>> -> memref<1024x64xf32, #tpu.memory_space<hbm>>
      %dma_start3A_19 = arith.constant 0 : i32
      %dma_start3A_20 = tpu.memref_slice %arg4[%add3A_4, %dma_start3A_19] : memref<65536x64xf32, #tpu.memory_space<hbm>> -> memref<1024x64xf32, #tpu.memory_space<hbm>>
      tpu.enqueue_dma source(%arg6 : memref<1024x64xf32, #tpu.memory_space<vmem>>) target(%dma_start3A_20 : memref<1024x64xf32, #tpu.memory_space<hbm>>) target_semaphore(%run_scoped3A : memref<!tpu.dma_semaphore, #tpu.memory_space<semaphore_mem>>)
      %dma_wait3A_21 = arith.constant 0 : i32
      %dma_wait3A_22 = tpu.memref_slice %arg4[%add3A_4, %dma_wait3A_21] : memref<65536x64xf32, #tpu.memory_space<hbm>> -> memref<1024x64xf32, #tpu.memory_space<hbm>>
      %dma_wait3A_23 = arith.constant 0 : i32
      %dma_wait3A_24 = tpu.memref_slice %arg4[%add3A_4, %dma_wait3A_23] : memref<65536x64xf32, #tpu.memory_space<hbm>> -> memref<1024x64xf32, #tpu.memory_space<hbm>>
      tpu.wait_dma2 semaphore(%run_scoped3A : memref<!tpu.dma_semaphore, #tpu.memory_space<semaphore_mem>>) src(%arg6 : memref<1024x64xf32, #tpu.memory_space<vmem>>) dst(%dma_wait3A_24 : memref<1024x64xf32, #tpu.memory_space<hbm>>)
      tpu.yield
    }) : () -> ()
    %add3A_9 = arith.constant 1024 : i32
    %add3A_10 = arith.addi %mul3A_2, %add3A_9 : i32
    "tpu.region"() ({
      %run_scoped3A = tpu.sem_alloc : memref<!tpu.dma_semaphore, #tpu.memory_space<semaphore_mem>>
      %dma_start3A_17 = tpu.memref_slice %arg3[%add3A_10] : memref<65536xi32, #tpu.memory_space<hbm>> -> memref<1024xi32, #tpu.memory_space<hbm>>
      %dma_start3A_18 = tpu.memref_slice %arg3[%add3A_10] : memref<65536xi32, #tpu.memory_space<hbm>> -> memref<1024xi32, #tpu.memory_space<hbm>>
      tpu.enqueue_dma source(%dma_start3A_18 : memref<1024xi32, #tpu.memory_space<hbm>>) target(%arg5 : memref<1024xi32, #tpu.memory_space<vmem>>) target_semaphore(%run_scoped3A : memref<!tpu.dma_semaphore, #tpu.memory_space<semaphore_mem>>)
      %dma_wait3A_19 = tpu.memref_slice %arg3[%add3A_10] : memref<65536xi32, #tpu.memory_space<hbm>> -> memref<1024xi32, #tpu.memory_space<hbm>>
      %dma_wait3A_20 = tpu.memref_slice %arg3[%add3A_10] : memref<65536xi32, #tpu.memory_space<hbm>> -> memref<1024xi32, #tpu.memory_space<hbm>>
      tpu.wait_dma2 semaphore(%run_scoped3A : memref<!tpu.dma_semaphore, #tpu.memory_space<semaphore_mem>>) src(%dma_wait3A_20 : memref<1024xi32, #tpu.memory_space<hbm>>) dst(%arg5 : memref<1024xi32, #tpu.memory_space<vmem>>)
      tpu.yield
    }) : () -> ()
    %dma_start3A_11 = arith.constant 0 : i32
    %dma_start3A_12 = arith.constant 0 : i32
    %dma_start3A_13 = tpu.memref_slice %arg2[%dma_start3A_11, %dma_start3A_12] : memref<3200x64xf32, #tpu.memory_space<hbm>> -> memref<3200x64xf32, #tpu.memory_space<hbm>>
    tpu.enqueue_indirect_dma source(%dma_start3A_13 : memref<3200x64xf32, #tpu.memory_space<hbm>>) target(%arg6 : memref<1024x64xf32, #tpu.memory_space<vmem>>) offsets(%arg5 : memref<1024xi32, #tpu.memory_space<vmem>>) semaphore(%arg7 : memref<!tpu.dma_semaphore, #tpu.memory_space<semaphore_mem>>)
    %dma_wait3A_14 = arith.constant 0 : i32
    %dma_wait3A_15 = arith.constant 0 : i32
    %dma_wait3A_16 = tpu.memref_slice %arg2[%dma_wait3A_14, %dma_wait3A_15] : memref<3200x64xf32, #tpu.memory_space<hbm>> -> memref<3200x64xf32, #tpu.memory_space<hbm>>
    tpu.wait_indirect_dma semaphore(%arg7 : memref<!tpu.dma_semaphore, #tpu.memory_space<semaphore_mem>>) src(%dma_wait3A_16 : memref<3200x64xf32, #tpu.memory_space<hbm>>) dst(%arg6 : memref<1024x64xf32, #tpu.memory_space<vmem>>)
    "tpu.region"() ({
      %run_scoped3A = tpu.sem_alloc : memref<!tpu.dma_semaphore, #tpu.memory_space<semaphore_mem>>
      %dma_start3A_17 = arith.constant 0 : i32
      %dma_start3A_18 = tpu.memref_slice %arg4[%add3A_10, %dma_start3A_17] : memref<65536x64xf32, #tpu.memory_space<hbm>> -> memref<1024x64xf32, #tpu.memory_space<hbm>>
      %dma_start3A_19 = arith.constant 0 : i32
      %dma_start3A_20 = tpu.memref_slice %arg4[%add3A_10, %dma_start3A_19] : memref<65536x64xf32, #tpu.memory_space<hbm>> -> memref<1024x64xf32, #tpu.memory_space<hbm>>
      tpu.enqueue_dma source(%arg6 : memref<1024x64xf32, #tpu.memory_space<vmem>>) target(%dma_start3A_20 : memref<1024x64xf32, #tpu.memory_space<hbm>>) target_semaphore(%run_scoped3A : memref<!tpu.dma_semaphore, #tpu.memory_space<semaphore_mem>>)
      %dma_wait3A_21 = arith.constant 0 : i32
      %dma_wait3A_22 = tpu.memref_slice %arg4[%add3A_10, %dma_wait3A_21] : memref<65536x64xf32, #tpu.memory_space<hbm>> -> memref<1024x64xf32, #tpu.memory_space<hbm>>
      %dma_wait3A_23 = arith.constant 0 : i32
      %dma_wait3A_24 = tpu.memref_slice %arg4[%add3A_10, %dma_wait3A_23] : memref<65536x64xf32, #tpu.memory_space<hbm>> -> memref<1024x64xf32, #tpu.memory_space<hbm>>
      tpu.wait_dma2 semaphore(%run_scoped3A : memref<!tpu.dma_semaphore, #tpu.memory_space<semaphore_mem>>) src(%arg6 : memref<1024x64xf32, #tpu.memory_space<vmem>>) dst(%dma_wait3A_24 : memref<1024x64xf32, #tpu.memory_space<hbm>>)
      tpu.yield
    }) : () -> ()
    return
  }
}

module attributes {stable_mosaic.version = 14 : i64} {
  func.func @_dense_body(%arg0: i32, %arg1: memref<2048x64xf32, #tpu.memory_space<vmem>>, %arg2: memref<2048x64xf32, #tpu.memory_space<vmem>>, %arg3: memref<1x1xf32, #tpu.memory_space<vmem>>, %arg4: memref<64x64xf32, #tpu.memory_space<vmem>>, %arg5: memref<1x64xf32, #tpu.memory_space<vmem>>, %arg6: memref<1x64xf32, #tpu.memory_space<vmem>>, %arg7: memref<1x64xf32, #tpu.memory_space<vmem>>, %arg8: memref<64x64xf32, #tpu.memory_space<vmem>>, %arg9: memref<1x64xf32, #tpu.memory_space<vmem>>, %arg10: memref<2048x64xf32, #tpu.memory_space<vmem>>) attributes {dimension_semantics = [#tpu.dimension_semantics<arbitrary>], iteration_bounds = array<i64: 32>, scalar_prefetch = 0 : i64, scratch_operands = 0 : i64, tpu.core_type = #tpu.core_type<tc>, window_params = [{transform_indices = @transform_0, window_bounds = array<i64: 2048, 64>}, {transform_indices = @transform_1, window_bounds = array<i64: 2048, 64>}, {pipeline_mode = #tpu.pipeline_mode<synchronous>, transform_indices = @transform_2, window_bounds = array<i64: 1, 1>}, {pipeline_mode = #tpu.pipeline_mode<synchronous>, transform_indices = @transform_3, window_bounds = array<i64: 64, 64>}, {pipeline_mode = #tpu.pipeline_mode<synchronous>, transform_indices = @transform_4, window_bounds = array<i64: 1, 64>}, {pipeline_mode = #tpu.pipeline_mode<synchronous>, transform_indices = @transform_5, window_bounds = array<i64: 1, 64>}, {pipeline_mode = #tpu.pipeline_mode<synchronous>, transform_indices = @transform_6, window_bounds = array<i64: 1, 64>}, {pipeline_mode = #tpu.pipeline_mode<synchronous>, transform_indices = @transform_7, window_bounds = array<i64: 64, 64>}, {pipeline_mode = #tpu.pipeline_mode<synchronous>, transform_indices = @transform_8, window_bounds = array<i64: 1, 64>}, {transform_indices = @transform_9, window_bounds = array<i64: 2048, 64>}]} {
    %get3A = arith.constant 0 : index
    %get3A_0 = arith.constant 0 : index
    %get3A_1 = vector.load %arg3[%get3A, %get3A_0] : memref<1x1xf32, #tpu.memory_space<vmem>>, vector<1x1xf32>
    %get3A_2 = vector.extract %get3A_1[0, 0] : f32 from vector<1x1xf32>
    %get3A_3 = arith.constant 0 : index
    %get3A_4 = arith.constant 0 : index
    %get3A_5 = vector.load %arg1[%get3A_3, %get3A_4] : memref<2048x64xf32, #tpu.memory_space<vmem>>, vector<2048x64xf32>
    %mul3A = vector.broadcast %get3A_2 : f32 to vector<2048x64xf32>
    %mul3A_6 = arith.mulf %mul3A, %get3A_5 : vector<2048x64xf32>
    %get3A_7 = arith.constant 0 : index
    %get3A_8 = arith.constant 0 : index
    %get3A_9 = vector.load %arg2[%get3A_7, %get3A_8] : memref<2048x64xf32, #tpu.memory_space<vmem>>, vector<2048x64xf32>
    %add3A = arith.addf %mul3A_6, %get3A_9 : vector<2048x64xf32>
    %get3A_10 = arith.constant 0 : index
    %get3A_11 = arith.constant 0 : index
    %get3A_12 = vector.load %arg4[%get3A_10, %get3A_11] : memref<64x64xf32, #tpu.memory_space<vmem>>, vector<64x64xf32>
    %dot_general3A = arith.constant dense<0.000000e+00> : vector<2048x64xf32>
    %dot_general3A_13 = tpu.matmul %add3A, %get3A_12, %dot_general3A {dimension_numbers = #tpu.dot_dimension_numbers<[1], [0], [0], [1], [0, 0, 1, 1], [], []>, precision = #tpu.contract_precision<fp32>, transpose_lhs_hint = false} : vector<2048x64xf32>, vector<64x64xf32>, vector<2048x64xf32> -> vector<2048x64xf32>
    %get3A_14 = arith.constant 0 : index
    %get3A_15 = arith.constant 0 : index
    %get3A_16 = vector.load %arg5[%get3A_14, %get3A_15] : memref<1x64xf32, #tpu.memory_space<vmem>>, vector<1x64xf32>
    %add3A_17 = vector.broadcast %get3A_16 : vector<1x64xf32> to vector<2048x64xf32>
    %add3A_18 = arith.addf %dot_general3A_13, %add3A_17 : vector<2048x64xf32>
    %reduce_sum3A = arith.constant dense<0.000000e+00> : vector<2048xf32>
    %reduce_sum3A_19 = vector.multi_reduction <add>, %add3A_18, %reduce_sum3A [1] : vector<2048x64xf32> to vector<2048xf32>
    %broadcast_in_dim3A = vector.shape_cast %reduce_sum3A_19 : vector<2048xf32> to vector<2048x1xf32>
    %div3A = arith.constant 6.400000e+01 : f32
    %div3A_20 = vector.broadcast %div3A : f32 to vector<2048x1xf32>
    %div3A_21 = arith.divf %broadcast_in_dim3A, %div3A_20 : vector<2048x1xf32>
    %sub3A = vector.broadcast %div3A_21 : vector<2048x1xf32> to vector<2048x64xf32>
    %sub3A_22 = arith.subf %add3A_18, %sub3A : vector<2048x64xf32>
    %mul3A_23 = arith.mulf %sub3A_22, %sub3A_22 : vector<2048x64xf32>
    %reduce_sum3A_24 = arith.constant dense<0.000000e+00> : vector<2048xf32>
    %reduce_sum3A_25 = vector.multi_reduction <add>, %mul3A_23, %reduce_sum3A_24 [1] : vector<2048x64xf32> to vector<2048xf32>
    %broadcast_in_dim3A_26 = vector.shape_cast %reduce_sum3A_25 : vector<2048xf32> to vector<2048x1xf32>
    %div3A_27 = arith.constant 6.400000e+01 : f32
    %div3A_28 = vector.broadcast %div3A_27 : f32 to vector<2048x1xf32>
    %div3A_29 = arith.divf %broadcast_in_dim3A_26, %div3A_28 : vector<2048x1xf32>
    %add3A_30 = arith.constant 9.99999974E-6 : f32
    %add3A_31 = vector.broadcast %add3A_30 : f32 to vector<2048x1xf32>
    %add3A_32 = arith.addf %div3A_29, %add3A_31 : vector<2048x1xf32>
    %rsqrt3A = math.rsqrt %add3A_32 : vector<2048x1xf32>
    %mul3A_33 = vector.broadcast %rsqrt3A : vector<2048x1xf32> to vector<2048x64xf32>
    %mul3A_34 = arith.mulf %sub3A_22, %mul3A_33 : vector<2048x64xf32>
    %get3A_35 = arith.constant 0 : index
    %get3A_36 = arith.constant 0 : index
    %get3A_37 = vector.load %arg6[%get3A_35, %get3A_36] : memref<1x64xf32, #tpu.memory_space<vmem>>, vector<1x64xf32>
    %mul3A_38 = vector.broadcast %get3A_37 : vector<1x64xf32> to vector<2048x64xf32>
    %mul3A_39 = arith.mulf %mul3A_34, %mul3A_38 : vector<2048x64xf32>
    %get3A_40 = arith.constant 0 : index
    %get3A_41 = arith.constant 0 : index
    %get3A_42 = vector.load %arg7[%get3A_40, %get3A_41] : memref<1x64xf32, #tpu.memory_space<vmem>>, vector<1x64xf32>
    %add3A_43 = vector.broadcast %get3A_42 : vector<1x64xf32> to vector<2048x64xf32>
    %add3A_44 = arith.addf %mul3A_39, %add3A_43 : vector<2048x64xf32>
    %max3A = arith.constant 0.000000e+00 : f32
    %max3A_45 = vector.broadcast %max3A : f32 to vector<2048x64xf32>
    %max3A_46 = arith.maximumf %add3A_44, %max3A_45 : vector<2048x64xf32>
    %get3A_47 = arith.constant 0 : index
    %get3A_48 = arith.constant 0 : index
    %get3A_49 = vector.load %arg8[%get3A_47, %get3A_48] : memref<64x64xf32, #tpu.memory_space<vmem>>, vector<64x64xf32>
    %dot_general3A_50 = arith.constant dense<0.000000e+00> : vector<2048x64xf32>
    %dot_general3A_51 = tpu.matmul %max3A_46, %get3A_49, %dot_general3A_50 {dimension_numbers = #tpu.dot_dimension_numbers<[1], [0], [0], [1], [0, 0, 1, 1], [], []>, precision = #tpu.contract_precision<fp32>, transpose_lhs_hint = false} : vector<2048x64xf32>, vector<64x64xf32>, vector<2048x64xf32> -> vector<2048x64xf32>
    %get3A_52 = arith.constant 0 : index
    %get3A_53 = arith.constant 0 : index
    %get3A_54 = vector.load %arg9[%get3A_52, %get3A_53] : memref<1x64xf32, #tpu.memory_space<vmem>>, vector<1x64xf32>
    %add3A_55 = vector.broadcast %get3A_54 : vector<1x64xf32> to vector<2048x64xf32>
    %add3A_56 = arith.addf %dot_general3A_51, %add3A_55 : vector<2048x64xf32>
    %swap3A = arith.constant 0 : index
    %swap3A_57 = arith.constant 0 : index
    %swap3A_58 = vector.load %arg10[%swap3A, %swap3A_57] : memref<2048x64xf32, #tpu.memory_space<vmem>>, vector<2048x64xf32>
    tpu.vector_store %arg10[%swap3A, %swap3A_57], %add3A_56 {strides = array<i32>} : memref<2048x64xf32, #tpu.memory_space<vmem>>, vector<2048x64xf32>,
    return
  }
  func.func @transform_0(%arg0: i32) -> (i32, i32) {
    %c0_i32 = arith.constant 0 : i32
    %c0_i32_0 = arith.constant 0 : i32
    return %arg0, %c0_i32 : i32, i32
  }
  func.func @transform_1(%arg0: i32) -> (i32, i32) {
    %c0_i32 = arith.constant 0 : i32
    %c0_i32_0 = arith.constant 0 : i32
    return %arg0, %c0_i32 : i32, i32
  }
  func.func @transform_2(%arg0: i32) -> (i32, i32) {
    %c0_i32 = arith.constant 0 : i32
    %c0_i32_0 = arith.constant 0 : i32
    %c0_i32_1 = arith.constant 0 : i32
    return %c0_i32, %c0_i32_0 : i32, i32
  }
  func.func @transform_3(%arg0: i32) -> (i32, i32) {
    %c0_i32 = arith.constant 0 : i32
    %c0_i32_0 = arith.constant 0 : i32
    %c0_i32_1 = arith.constant 0 : i32
    return %c0_i32, %c0_i32_0 : i32, i32
  }
  func.func @transform_4(%arg0: i32) -> (i32, i32) {
    %c0_i32 = arith.constant 0 : i32
    %c0_i32_0 = arith.constant 0 : i32
    %c0_i32_1 = arith.constant 0 : i32
    return %c0_i32, %c0_i32_0 : i32, i32
  }
  func.func @transform_5(%arg0: i32) -> (i32, i32) {
    %c0_i32 = arith.constant 0 : i32
    %c0_i32_0 = arith.constant 0 : i32
    %c0_i32_1 = arith.constant 0 : i32
    return %c0_i32, %c0_i32_0 : i32, i32
  }
  func.func @transform_6(%arg0: i32) -> (i32, i32) {
    %c0_i32 = arith.constant 0 : i32
    %c0_i32_0 = arith.constant 0 : i32
    %c0_i32_1 = arith.constant 0 : i32
    return %c0_i32, %c0_i32_0 : i32, i32
  }
  func.func @transform_7(%arg0: i32) -> (i32, i32) {
    %c0_i32 = arith.constant 0 : i32
    %c0_i32_0 = arith.constant 0 : i32
    %c0_i32_1 = arith.constant 0 : i32
    return %c0_i32, %c0_i32_0 : i32, i32
  }
  func.func @transform_8(%arg0: i32) -> (i32, i32) {
    %c0_i32 = arith.constant 0 : i32
    %c0_i32_0 = arith.constant 0 : i32
    %c0_i32_1 = arith.constant 0 : i32
    return %c0_i32, %c0_i32_0 : i32, i32
  }
  func.func @transform_9(%arg0: i32) -> (i32, i32) {
    %c0_i32 = arith.constant 0 : i32
    %c0_i32_0 = arith.constant 0 : i32
    return %arg0, %c0_i32 : i32, i32
  }
}

module attributes {stable_mosaic.version = 14 : i64} {
  func.func @_dense_body(%arg0: i32, %arg1: memref<2048x64xf32, #tpu.memory_space<vmem>>, %arg2: memref<2048x64xf32, #tpu.memory_space<vmem>>, %arg3: memref<1x1xf32, #tpu.memory_space<vmem>>, %arg4: memref<64x64xf32, #tpu.memory_space<vmem>>, %arg5: memref<1x64xf32, #tpu.memory_space<vmem>>, %arg6: memref<1x64xf32, #tpu.memory_space<vmem>>, %arg7: memref<1x64xf32, #tpu.memory_space<vmem>>, %arg8: memref<64x64xf32, #tpu.memory_space<vmem>>, %arg9: memref<1x64xf32, #tpu.memory_space<vmem>>, %arg10: memref<64x64xf32, #tpu.memory_space<vmem>>) attributes {dimension_semantics = [#tpu.dimension_semantics<arbitrary>], iteration_bounds = array<i64: 32>, scalar_prefetch = 0 : i64, scratch_operands = 0 : i64, tpu.core_type = #tpu.core_type<tc>, window_params = [{transform_indices = @transform_0, window_bounds = array<i64: 2048, 64>}, {transform_indices = @transform_1, window_bounds = array<i64: 2048, 64>}, {pipeline_mode = #tpu.pipeline_mode<synchronous>, transform_indices = @transform_2, window_bounds = array<i64: 1, 1>}, {pipeline_mode = #tpu.pipeline_mode<synchronous>, transform_indices = @transform_3, window_bounds = array<i64: 64, 64>}, {pipeline_mode = #tpu.pipeline_mode<synchronous>, transform_indices = @transform_4, window_bounds = array<i64: 1, 64>}, {pipeline_mode = #tpu.pipeline_mode<synchronous>, transform_indices = @transform_5, window_bounds = array<i64: 1, 64>}, {pipeline_mode = #tpu.pipeline_mode<synchronous>, transform_indices = @transform_6, window_bounds = array<i64: 1, 64>}, {pipeline_mode = #tpu.pipeline_mode<synchronous>, transform_indices = @transform_7, window_bounds = array<i64: 64, 64>}, {pipeline_mode = #tpu.pipeline_mode<synchronous>, transform_indices = @transform_8, window_bounds = array<i64: 1, 64>}, {transform_indices = @transform_9, window_bounds = array<i64: 64, 64>}]} {
    %get3A = arith.constant 0 : index
    %get3A_0 = arith.constant 0 : index
    %get3A_1 = vector.load %arg3[%get3A, %get3A_0] : memref<1x1xf32, #tpu.memory_space<vmem>>, vector<1x1xf32>
    %get3A_2 = vector.extract %get3A_1[0, 0] : f32 from vector<1x1xf32>
    %get3A_3 = arith.constant 0 : index
    %get3A_4 = arith.constant 0 : index
    %get3A_5 = vector.load %arg1[%get3A_3, %get3A_4] : memref<2048x64xf32, #tpu.memory_space<vmem>>, vector<2048x64xf32>
    %mul3A = vector.broadcast %get3A_2 : f32 to vector<2048x64xf32>
    %mul3A_6 = arith.mulf %mul3A, %get3A_5 : vector<2048x64xf32>
    %get3A_7 = arith.constant 0 : index
    %get3A_8 = arith.constant 0 : index
    %get3A_9 = vector.load %arg2[%get3A_7, %get3A_8] : memref<2048x64xf32, #tpu.memory_space<vmem>>, vector<2048x64xf32>
    %add3A = arith.addf %mul3A_6, %get3A_9 : vector<2048x64xf32>
    %get3A_10 = arith.constant 0 : index
    %get3A_11 = arith.constant 0 : index
    %get3A_12 = vector.load %arg4[%get3A_10, %get3A_11] : memref<64x64xf32, #tpu.memory_space<vmem>>, vector<64x64xf32>
    %dot_general3A = arith.constant dense<0.000000e+00> : vector<2048x64xf32>
    %dot_general3A_13 = tpu.matmul %add3A, %get3A_12, %dot_general3A {dimension_numbers = #tpu.dot_dimension_numbers<[1], [0], [0], [1], [0, 0, 1, 1], [], []>, precision = #tpu.contract_precision<fp32>, transpose_lhs_hint = false} : vector<2048x64xf32>, vector<64x64xf32>, vector<2048x64xf32> -> vector<2048x64xf32>
    %get3A_14 = arith.constant 0 : index
    %get3A_15 = arith.constant 0 : index
    %get3A_16 = vector.load %arg5[%get3A_14, %get3A_15] : memref<1x64xf32, #tpu.memory_space<vmem>>, vector<1x64xf32>
    %add3A_17 = vector.broadcast %get3A_16 : vector<1x64xf32> to vector<2048x64xf32>
    %add3A_18 = arith.addf %dot_general3A_13, %add3A_17 : vector<2048x64xf32>
    %reduce_sum3A = arith.constant dense<0.000000e+00> : vector<2048xf32>
    %reduce_sum3A_19 = vector.multi_reduction <add>, %add3A_18, %reduce_sum3A [1] : vector<2048x64xf32> to vector<2048xf32>
    %broadcast_in_dim3A = vector.shape_cast %reduce_sum3A_19 : vector<2048xf32> to vector<2048x1xf32>
    %div3A = arith.constant 6.400000e+01 : f32
    %div3A_20 = vector.broadcast %div3A : f32 to vector<2048x1xf32>
    %div3A_21 = arith.divf %broadcast_in_dim3A, %div3A_20 : vector<2048x1xf32>
    %sub3A = vector.broadcast %div3A_21 : vector<2048x1xf32> to vector<2048x64xf32>
    %sub3A_22 = arith.subf %add3A_18, %sub3A : vector<2048x64xf32>
    %mul3A_23 = arith.mulf %sub3A_22, %sub3A_22 : vector<2048x64xf32>
    %reduce_sum3A_24 = arith.constant dense<0.000000e+00> : vector<2048xf32>
    %reduce_sum3A_25 = vector.multi_reduction <add>, %mul3A_23, %reduce_sum3A_24 [1] : vector<2048x64xf32> to vector<2048xf32>
    %broadcast_in_dim3A_26 = vector.shape_cast %reduce_sum3A_25 : vector<2048xf32> to vector<2048x1xf32>
    %div3A_27 = arith.constant 6.400000e+01 : f32
    %div3A_28 = vector.broadcast %div3A_27 : f32 to vector<2048x1xf32>
    %div3A_29 = arith.divf %broadcast_in_dim3A_26, %div3A_28 : vector<2048x1xf32>
    %add3A_30 = arith.constant 9.99999974E-6 : f32
    %add3A_31 = vector.broadcast %add3A_30 : f32 to vector<2048x1xf32>
    %add3A_32 = arith.addf %div3A_29, %add3A_31 : vector<2048x1xf32>
    %rsqrt3A = math.rsqrt %add3A_32 : vector<2048x1xf32>
    %mul3A_33 = vector.broadcast %rsqrt3A : vector<2048x1xf32> to vector<2048x64xf32>
    %mul3A_34 = arith.mulf %sub3A_22, %mul3A_33 : vector<2048x64xf32>
    %get3A_35 = arith.constant 0 : index
    %get3A_36 = arith.constant 0 : index
    %get3A_37 = vector.load %arg6[%get3A_35, %get3A_36] : memref<1x64xf32, #tpu.memory_space<vmem>>, vector<1x64xf32>
    %mul3A_38 = vector.broadcast %get3A_37 : vector<1x64xf32> to vector<2048x64xf32>
    %mul3A_39 = arith.mulf %mul3A_34, %mul3A_38 : vector<2048x64xf32>
    %get3A_40 = arith.constant 0 : index
    %get3A_41 = arith.constant 0 : index
    %get3A_42 = vector.load %arg7[%get3A_40, %get3A_41] : memref<1x64xf32, #tpu.memory_space<vmem>>, vector<1x64xf32>
    %add3A_43 = vector.broadcast %get3A_42 : vector<1x64xf32> to vector<2048x64xf32>
    %add3A_44 = arith.addf %mul3A_39, %add3A_43 : vector<2048x64xf32>
    %max3A = arith.constant 0.000000e+00 : f32
    %max3A_45 = vector.broadcast %max3A : f32 to vector<2048x64xf32>
    %max3A_46 = arith.maximumf %add3A_44, %max3A_45 : vector<2048x64xf32>
    %get3A_47 = arith.constant 0 : index
    %get3A_48 = arith.constant 0 : index
    %get3A_49 = vector.load %arg8[%get3A_47, %get3A_48] : memref<64x64xf32, #tpu.memory_space<vmem>>, vector<64x64xf32>
    %dot_general3A_50 = arith.constant dense<0.000000e+00> : vector<2048x64xf32>
    %dot_general3A_51 = tpu.matmul %max3A_46, %get3A_49, %dot_general3A_50 {dimension_numbers = #tpu.dot_dimension_numbers<[1], [0], [0], [1], [0, 0, 1, 1], [], []>, precision = #tpu.contract_precision<fp32>, transpose_lhs_hint = false} : vector<2048x64xf32>, vector<64x64xf32>, vector<2048x64xf32> -> vector<2048x64xf32>
    %get3A_52 = arith.constant 0 : index
    %get3A_53 = arith.constant 0 : index
    %get3A_54 = vector.load %arg9[%get3A_52, %get3A_53] : memref<1x64xf32, #tpu.memory_space<vmem>>, vector<1x64xf32>
    %add3A_55 = vector.broadcast %get3A_54 : vector<1x64xf32> to vector<2048x64xf32>
    %add3A_56 = arith.addf %dot_general3A_51, %add3A_55 : vector<2048x64xf32>
    %reshape3A = vector.shape_cast %add3A_56 : vector<2048x64xf32> to vector<64x32x64xf32>
    %reduce_sum3A_57 = arith.constant dense<0.000000e+00> : vector<64x64xf32>
    %reduce_sum3A_58 = vector.multi_reduction <add>, %reshape3A, %reduce_sum3A_57 [1] : vector<64x32x64xf32> to vector<64x64xf32>
    %swap3A = arith.constant 0 : index
    %swap3A_59 = arith.constant 0 : index
    %swap3A_60 = vector.load %arg10[%swap3A, %swap3A_59] : memref<64x64xf32, #tpu.memory_space<vmem>>, vector<64x64xf32>
    tpu.vector_store %arg10[%swap3A, %swap3A_59], %reduce_sum3A_58 {strides = array<i32>} : memref<64x64xf32, #tpu.memory_space<vmem>>, vector<64x64xf32>,
    return
  }
  func.func @transform_0(%arg0: i32) -> (i32, i32) {
    %c0_i32 = arith.constant 0 : i32
    %c0_i32_0 = arith.constant 0 : i32
    return %arg0, %c0_i32 : i32, i32
  }
  func.func @transform_1(%arg0: i32) -> (i32, i32) {
    %c0_i32 = arith.constant 0 : i32
    %c0_i32_0 = arith.constant 0 : i32
    return %arg0, %c0_i32 : i32, i32
  }
  func.func @transform_2(%arg0: i32) -> (i32, i32) {
    %c0_i32 = arith.constant 0 : i32
    %c0_i32_0 = arith.constant 0 : i32
    %c0_i32_1 = arith.constant 0 : i32
    return %c0_i32, %c0_i32_0 : i32, i32
  }
  func.func @transform_3(%arg0: i32) -> (i32, i32) {
    %c0_i32 = arith.constant 0 : i32
    %c0_i32_0 = arith.constant 0 : i32
    %c0_i32_1 = arith.constant 0 : i32
    return %c0_i32, %c0_i32_0 : i32, i32
  }
  func.func @transform_4(%arg0: i32) -> (i32, i32) {
    %c0_i32 = arith.constant 0 : i32
    %c0_i32_0 = arith.constant 0 : i32
    %c0_i32_1 = arith.constant 0 : i32
    return %c0_i32, %c0_i32_0 : i32, i32
  }
  func.func @transform_5(%arg0: i32) -> (i32, i32) {
    %c0_i32 = arith.constant 0 : i32
    %c0_i32_0 = arith.constant 0 : i32
    %c0_i32_1 = arith.constant 0 : i32
    return %c0_i32, %c0_i32_0 : i32, i32
  }
  func.func @transform_6(%arg0: i32) -> (i32, i32) {
    %c0_i32 = arith.constant 0 : i32
    %c0_i32_0 = arith.constant 0 : i32
    %c0_i32_1 = arith.constant 0 : i32
    return %c0_i32, %c0_i32_0 : i32, i32
  }
  func.func @transform_7(%arg0: i32) -> (i32, i32) {
    %c0_i32 = arith.constant 0 : i32
    %c0_i32_0 = arith.constant 0 : i32
    %c0_i32_1 = arith.constant 0 : i32
    return %c0_i32, %c0_i32_0 : i32, i32
  }
  func.func @transform_8(%arg0: i32) -> (i32, i32) {
    %c0_i32 = arith.constant 0 : i32
    %c0_i32_0 = arith.constant 0 : i32
    %c0_i32_1 = arith.constant 0 : i32
    return %c0_i32, %c0_i32_0 : i32, i32
  }
  func.func @transform_9(%arg0: i32) -> (i32, i32) {
    %c0_i32 = arith.constant 0 : i32
    %c0_i32_0 = arith.constant 0 : i32
    return %arg0, %c0_i32 : i32, i32
  }
}

</mosaic_0001>

<sc_bundles>
// kernel: kernel.10.cloned.1.call-start
scs
__scs_entry_jumppad:
0x0: {  	(pc) =	sbr.rel $0x88, $3  }
0x1: {  	(tag) =	ssettag $0x0;
	lr =	simm.s32 $0x1  }
0x2: {  	[smem:$0x3F90] =	sst lr;
	_ =	strace $0xD0000000  }
0x3: {  	_ = 	snop  }
0x4: {  	_ = 	snop  }
0x5: {  	_ = 	snop  }
0x6: {  	_ = 	snop  }
0x7: {  	_ = 	snop  }
__scs_overlays_trampoline_lowered:
0x8: {  	[smem:$0x3F9F] =	sst s0  }
0x9: {  	[smem:$0x3FA0] =	sst s1  }
0xa: {  	[smem:$0x3FA1] =	sst s2  }
0xb: {  	[smem:$0x3FA2] =	sst s3  }
0xc: {  	[smem:$0x3FA3] =	sst s4  }
0xd: {  	[smem:$0x3FA4] =	sst s5  }
0xe: {  	[smem:$0x3FA5] =	sst s6  }
0xf: {  	[smem:$0x3FA6] =	sst s7  }
0x10: {  	[smem:$0x3FA7] =	sst s8  }
0x11: {  	[smem:$0x3FA8] =	sst s9;
	s0 =	simm.s32 @!p0 $0x0  }
0x12: {  	s1 =	sld [smem:$0x3F8E];
	s0 =	simm.s32 @p0 $0x1  }
0x13: {  	[smem:$0x3FA9] =	sst s0;
	s0 =	simm.s32 @!p1 $0x0  }
0x14: {  	s2 =	sld [smem:$0x3F8D];
	s0 =	simm.s32 @p1 $0x1  }
0x15: {  	[smem:$0x3FAA] =	sst s0;
	s0 =	simm.s32 @!p2 $0x0  }
0x16: {  	s3 =	sld [smem:$0x3FDB];
	s0 =	simm.s32 @p2 $0x1  }
0x17: {  	s4 =	simm.s32 $0x1BF5;
	[smem:$0x3FAC] =	sst s0  }
0x18: {  	s0 =	sld [smem:$0x3F8F];
	_ =	swait.ge [sflag:s4], $0x0  }
0x19: {  	s7 =	sld [smem:$0x3F90]  }
0x1a: {  	s8 =	sadd.s32 $0xFFFFE003, lr  }
0x1b: {  	s9 =	sadd.s32 $0xFFFFFEF7, lr;
	s5 =	simm.s32 $0xFFFFFFFF;
	p2 =	slt.u32 s8, $0xFFFFF086  }
0x1c: {  	p1 =	slt.u32 s9, $0xF7A;
	s5 =	simm.s32 @!p2 $0x0  }
0x1d: {  	s5 =	simm.s32 @p1 $0x1;
	p0 =	seq.s32 s7, s2  }
0x1e: {  	s7 =	smul.u32 @!p0 $0xF7A, s2;
	p2 =	seq.s32 @!p0 s5, $0x0  }
0x1f: {  	s9 =	smul.u32 $0xF7A, s1;
	s8 =	simm.s32 @!p0 $0x1BF5;
	p2 =	por !p2, p0  }
0x20: {  	[sflag:s8] =	ssyncset.s32 @!p0 $0xFFFFF086;
	s6 =	sadd.s32 @!p0 s3, s7;
	s7 =	simm.s32 @!p0 $0x108  }
0x21: {  	s3 =	sadd.s32 s3, s9;
	s6 =	sadd.s32 @!p0 $0x88, s6;
	s7 =	simm.s32 @p2 $0x1082  }
0x22: {  	[simem:s7], [sflag:s8] =	dma.local @!p0 [hbm:s6], $0xF7A  }
0x23: {  	s9 =	sor.u32 $0xD0000000, s2;
	s6 =	simm.s32 $0x108;
	_ =	swait.ge @!p0 [sflag:s8], $0x0  }
0x24: {  	s3 =	sadd.s32 $0x88, s3;
	s6 =	simm.s32 @!p1 $0x1082;
	[sflag:s4] =	ssyncset.s32 $0xFFFFF086  }
0x25: {  	[simem:s6], [sflag:s4] =	dma.local [hbm:s3], $0xF7A  }
0x26: {  	[smem:$0x3F90] =	sst s1;
	(tag) =	ssettag s2;
	_ =	strace s9  }
0x27: {  	s1 =	sld [smem:$0x3FA0]  }
0x28: {  	s2 =	sld [smem:$0x3FA1]  }
0x29: {  	s4 =	sld [smem:$0x3FA3]  }
0x2a: {  	p0 =	seq.s32 s5, $0x0;
	s5 =	sld [smem:$0x3FA4]  }
0x2b: {  	s6 =	sld [smem:$0x3FA5]  }
0x2c: {  	s7 =	sld [smem:$0x3FA6]  }
0x2d: {  	s3 =	simm.s32 $0x108;
	s8 =	sld [smem:$0x3FA7]  }
0x2e: {  	s3 =	simm.s32 @!p0 $0x1082;
	s9 =	sld [smem:$0x3FA8]  }
0x2f: {  	lr =	sadd.s32 s0, s3;
	s0 =	sld [smem:$0x3F9F]  }
0x30: {  	s3 =	sld [smem:$0x3FA2]  }
0x31: {  	[smem:$0x3FAB] =	sst s10  }
0x32: {  	s10 =	sld [smem:$0x3FA9];
	_ =	sdelay $0x3  }
0x33: {  	p0 =	seq.s32 s10, $0x1;
	s10 =	sld [smem:$0x3FAB];
	_ =	sdelay $0x3  }
0x34: {  	[smem:$0x3FAB] =	sst s10  }
0x35: {  	s10 =	sld [smem:$0x3FAA];
	_ =	sdelay $0x3  }
0x36: {  	p1 =	seq.s32 s10, $0x1;
	s10 =	sld [smem:$0x3FAB];
	_ =	sdelay $0x3  }
0x37: {  	[smem:$0x3FAB] =	sst s10  }
0x38: {  	s10 =	sld [smem:$0x3FAC]  }
0x39: {  	_ = 	snop;
	(pc) =	sbr.ind lr, $3  }
0x3a: {  	_ = 	snop  }
0x3b: {  	_ = 	snop  }
0x3c: {  	p2 =	seq.s32 s10, $0x1;
	s10 =	sld [smem:$0x3FAB]  }
0x3d: {  	_ =	shalt  }
0x3e: {  	_ =	shalt  }
0x3f: {  	_ =	shalt  }
0x40: {  	_ =	shalt  }
0x41: {  	_ =	shalt  }
0x42: {  	_ =	shalt  }
0x43: {  	_ =	shalt  }
0x44: {  	_ =	shalt  }
0x45: {  	_ =	shalt  }
0x46: {  	_ =	shalt  }
0x47: {  	_ =	shalt  }
0x48: {  	_ =	shalt  }
0x49: {  	_ =	shalt  }
0x4a: {  	_ =	shalt  }
0x4b: {  	_ =	shalt  }
0x4c: {  	_ =	shalt  }
0x4d: {  	_ =	shalt  }
0x4e: {  	_ =	shalt  }
0x4f: {  	_ =	shalt  }
0x50: {  	_ =	shalt  }
0x51: {  	_ =	shalt  }
0x52: {  	_ =	shalt  }
0x53: {  	_ =	shalt  }
0x54: {  	_ =	shalt  }
0x55: {  	_ =	shalt  }
0x56: {  	_ =	shalt  }
0x57: {  	_ =	shalt  }
0x58: {  	_ =	shalt  }
0x59: {  	_ =	shalt  }
0x5a: {  	_ =	shalt  }
0x5b: {  	_ =	shalt  }
0x5c: {  	_ =	shalt  }
0x5d: {  	_ =	shalt  }
0x5e: {  	_ =	shalt  }
0x5f: {  	_ =	shalt  }
0x60: {  	_ =	shalt  }
0x61: {  	_ =	shalt  }
0x62: {  	_ =	shalt  }
0x63: {  	_ =	shalt  }
0x64: {  	_ =	shalt  }
0x65: {  	_ =	shalt  }
0x66: {  	_ =	shalt  }
0x67: {  	_ =	shalt  }
0x68: {  	_ =	shalt  }
0x69: {  	_ =	shalt  }
0x6a: {  	_ =	shalt  }
0x6b: {  	_ =	shalt  }
0x6c: {  	_ =	shalt  }
0x6d: {  	_ =	shalt  }
0x6e: {  	_ =	shalt  }
0x6f: {  	_ =	shalt  }
0x70: {  	_ =	shalt  }
0x71: {  	_ =	shalt  }
0x72: {  	_ =	shalt  }
0x73: {  	_ =	shalt  }
0x74: {  	_ =	shalt  }
0x75: {  	_ =	shalt  }
0x76: {  	_ =	shalt  }
0x77: {  	_ =	shalt  }
0x78: {  	_ =	shalt  }
0x79: {  	_ =	shalt  }
0x7a: {  	_ =	shalt  }
0x7b: {  	_ =	shalt  }
0x7c: {  	_ =	shalt  }
0x7d: {  	_ =	shalt  }
0x7e: {  	_ =	shalt  }
0x7f: {  	_ =	shalt  }
0x80: {  	_ =	shalt  }
0x81: {  	_ =	shalt  }
0x82: {  	_ =	shalt  }
0x83: {  	_ =	shalt  }
0x84: {  	_ =	shalt  }
0x85: {  	_ =	shalt  }
0x86: {  	_ =	shalt  }
0x87: {  	_ =	shalt  }
.Lfunc_end0:
.L_simem_size_0:
called_computation.1_lowered:
.L_overlay_start_0:
0x88: {  	s2 =	sld [smem:$0x3FD9]  }
0x89: {  	s3 =	sld [smem:$0x3FFE];
	_ =	sdelay $0x1  }
0x8a: {  	s1 =	srdreg.scid  }
0x8b: {  	s0 =	sand.u32 $0x1, s1  }
0x8c: {  	s16 =	sshll.u32 s0, $0xA;
	s2 =	sadd.s32 s3, s2  }
0x8d: {  	s2 =	sadd.s32 s2, s16  }
0x8e: {  	[smem:$0x3FB7] =	sst s2  }
0x8f: {  	_ = 	snop  }
0x90: {  	(tm) =	ssettm $0x1  }
0x91: {  	s17 =	sld [smem:$0x3FFB];
	_ =	sdelay $0x3  }
0x92: {  	_ =	strace s17  }
0x93: {  	s2 =	sld [smem:$0x3FFC];
	_ =	sdelay $0x3  }
0x94: {  	_ =	strace s2  }
0x95: {  	s2 =	sld [smem:$0x3FFD];
	_ =	sdelay $0x3  }
0x96: {  	_ =	strace s2  }
0x97: {  	_ =	strace $0x8FFFFFFF  }
0x98: {  	s18 =	sld [smem:$0x3FDB];
	_ =	sdelay $0x1  }
0x99: {  	s19 =	simm.s32 $_scs_section_size  }
0x9a: {  	s4 =	simm.s32 $_size__tile_overlayer_lowered;
	s5 =	simm.s32 $_tile_overlayer_lowered  }
0x9b: {  	s22 =	simm.s32 $0x1BFF;
	s21 =	sshll.u32 s5, $0x1;
	s2 =	sadd.s32 s19, s18  }
0x9c: {  	s6 =	simm.s32 $0x0;
	s20 =	sshll.u32 s4, $0x1;
	s4 =	sadd.s32 s21, s2  }
0x9d: {  	[timem:s6], [sflag:s22] =	dma.local [hbm:s4], s20  }
0x9e: {  	_ =	swait.ge [sflag:s22], s20  }
0x9f: {  	s3 =	ssub.s32 $0x0, s20;
	[sflag:s22] =	ssyncset.done $0x0  }
0xa0: {  	[sflag:s22] =	ssyncadd.s32 s3;
	_ =	sdelay $0x1  }
0xa1: {  	s23 =	simm.s32 $0x1B8B  }
0xa2: {  	_ =	swait.ge [sflag:s23], $0x1  }
0xa3: {  	[sflag:s23] =	ssyncset.done $0x0  }
0xa4: {  	s25 =	simm.s32 $0x1B8E;
	s24 =	sld [smem:$0x3FFE];
	[sflag:s23] =	ssyncadd.s32 $0xFFFFFFFF  }
0xa5: {  	s26 =	simm.s32 $execute0_lowered;
	[smem:$0x3FD2] =	sst s25  }
0xa6: {  	s4 =	sshll.u32 s26, $0x1;
	_ =	strace $0x80000049;
	[dreg:$0x1] =	wrdreg $0xFFFFFFFF  }
0xa7: {  	s28 =	simm.s32 $_size_execute0_lowered;
	s2 =	sadd.s32 s2, s4;
	[dreg:$0x0] =	wrdreg $0x0  }
0xa8: {  	s4 =	sshll.u32 s28, $0x1;
	[dreg:$0x2] =	wrdreg s2  }
0xa9: {  	[dreg:$0x3] =	wrdreg s4  }
0xaa: {  	[dreg:$0x4] =	wrdreg $0xC0  }
0xab: {  	_ =	task [dreg:s6], $0x5FFFF  }
0xac: {  	[dreg:$0x1] =	wrdreg $0xFFFFFFFF  }
0xad: {  	[dreg:$0x0] =	wrdreg $0x60  }
0xae: {  	[dreg:$0x2] =	wrdreg s24  }
0xaf: {  	[dreg:$0x3] =	wrdreg $0x0  }
0xb0: {  	[dreg:$0x4] =	wrdreg $0x9  }
0xb1: {  	_ =	task.clear_ibuf [dreg:s6], $0x5FFFF;
	_ =	strace $0x90000049  }
0xb2: {  	s29 =	simm.s32 $0x9;
	_ =	strace $0x8000004B  }
0xb3: {  	_ =	swait.ge [sflag:s29], $0x1  }
0xb4: {  	[sflag:s29] =	ssyncadd.s32 $0xFFFFFFFF  }
0xb5: {  	_ =	strace $0x9000004B  }
0xb6: {  	_ =	sfence  }
0xb7: {  	s30 =	sld [smem:$0x0];
	_ =	sdelay $0x2  }
0xb8: {  	s31 =	sshll.u32 s1, $0xD;
	s1 =	sshrl.u32 s1, $0x2  }
0xb9: {  	s3 =	sand.u32 $0x4000, s31;
	s1 =	sadd.s32 s1, s30  }
0xba: {  	s0 =	sor.u32 s3, s0;
	s1 =	sshll.u32 s1, $0x11  }
0xbb: {  	s0 =	sor.u32 s1, s0  }
0xbc: {  	s0 =	sadd.s32 $0x8F2B, s0  }
0xbd: {  	[sflag:s0] =	ssyncadd.remote.s32 $0x1  }
0xbe: {  	_ =	sfence.sel $0xFFFF  }
0xbf: {  	[dreg:$0x0] =	wrdreg $0xFFFFFFFF;
	(pc) =	sbr.abs _section_cstart, $3  }
0xc0: {  	[dreg:$0x1] =	wrdreg $0xFFFFFFFF  }
0xc1: {  	_ =	task.clear_ibuf [dreg:s6], $0x2FFFF;
	_ =	strace $0x9FFFFFFF  }
0xc2: {  	(tm) =	ssettm $0x7FFFFFFF  }
0xc3: {  	_ =	shalt  }
tec
execute0_lowered:
.L_overlay_start_1:
0x0: {  	(tag) =	ssettag $0x1  }
0x1: {  	s0 =	rddreg [dreg:$0x0]  }
0x2: {  	s2 =	rddreg [dreg:$0x1]  }
0x3: {  	s3 =	srdreg.scid;
	s1 =	stileid.u32;
	s19 =	simm.s32 $0x10000  }
0x4: {  	s20 =	simm.s32 $0x2;
	s21 =	simm.s32 $0x12000;
	s22 =	simm.s32 $0x12800  }
0x5: {  	s23 =	simm.s32 $0x800;
	s28 =	simm.s32 $0x0;
	s5 =	sand.u32 $0x1, s3  }
0x6: {  	s3 =	simm.s32 $0x0;
	s4 =	sshll.u32 s1, $0x10;
	s24 =	sshll.u32 s1, $0xD  }
0x7: {  	s25 =	sshll.u32 s1, $0x12;
	s6 =	sshll.u32 s5, $0x14;
	[smem:$0x7FF] =	sst s3  }
0x8: {  	s17 =	sadd.s32 s24, s0;
	s7 =	sshll.u32 s5, $0x4;
	s8 =	ssub.s32 $0x2, s5  }
0x9: {  	s26 =	sshrl.u32 s25, $0x2;
	s24 =	simm.s32 $0x13000;
	s4 =	sor.u32 s4, s6  }
0xa: {  	_ =	strace $0x8000004A;
	s7 =	sor.u32 s7, s25;
	s30 =	sshrl.u32 s8, $0x1  }
0xb: {  	s5 =	sadd.s32 s26, s2;
	s17 =	sadd.s32 $0x89400, s17;
	s25 =	simm.s32 $0x1  }
0xc: {  	s26 =	simm.s32 $0x8;
	s6 =	sshrl.u32 s4, $0x3;
	s4 =	sadd.s32 $0x9400, s0  }
0xd: {  	s29 =	sshrl.u32 s7, $0x3;
	s15 =	ssub.s32 s8, s30;
	s7 =	sadd.s32 $0x4000, s5  }
0xe: {  	s8 =	sadd.s32 $0x6000, s5;
	s9 =	sadd.s32 $0x8000, s5;
	s10 =	sadd.s32 $0xA000, s5  }
0xf: {  	s11 =	sadd.s32 $0xC000, s5;
	s18 =	sadd.s32 s6, s0;
	s0 =	sadd.s32 s29, s0  }
0x10: {  	s12 =	sadd.s32 $0xE000, s5;
	s6 =	sadd.s32 $0x2000, s5;
	s31 =	sadd.s32 $0x129400, s0  }
0x11: {  	s15 =	smax.u32 s15, $0x1;
	s0 =	sadd.s32 $0x129404, s0;
	[dreg:$0x3] =	wrdreg s31  }
0x12: {  	v0 =	vimm.f32 $0.0e+00;
	s16 =	sadd.s32 $0xA9400, s18;
	s18 =	sadd.s32 $0xE9400, s18;
	[dreg:$0x4] =	wrdreg s0  }
.LBB2_1:
0x13: {  	s29 =	simm.s32 $0x40;
	s0 =	simm.s32 $0x0  }
.LBB2_2:
0x14: {  	p0 =	sne.s32 s29, $0x7FC0;
	[tilespmem:s0+$0x10000] =	vst v0;
	s0 =	smov.u32 s29;
	s29 =	sadd.s32 $0x40, s29  }
.Ltmp0:
0x15: {  	(pc) =	sbr.rel @p0 .LBB2_2-.Ltmp0, $2  }
0x16: {  	_ =	sdelay $0x2  }
0x17: {  	s0 =	sshra.s32 s0, $0x2  }
0x18: {  	[tilespmem:s0+$0x10000] =	vst v0  }
0x19: {  	[spmem:s5] =	stream.linear.scatter [tilespmem:s19], [sflag:$0x2], $0x2000, $0x38;
	[tilespmem:$0x1B000] =	vst v63  }
0x1a: {  	_ =	swait.ge [sflag:s20], $0x2000  }
0x1b: {  	[sflag:s20] =	ssyncset.done $0x0  }
0x1c: {  	[sflag:s20] =	ssyncadd.s32 $0xFFFFE000  }
0x1d: {  	[spmem:s6] =	stream.linear.scatter [tilespmem:s19], [sflag:$0x2], $0x2000, $0x38;
	[tilespmem:$0x1B000] =	vst v63  }
0x1e: {  	_ =	swait.ge [sflag:s20], $0x2000  }
0x1f: {  	[sflag:s20] =	ssyncset.done $0x0  }
0x20: {  	[sflag:s20] =	ssyncadd.s32 $0xFFFFE000  }
0x21: {  	[spmem:s7] =	stream.linear.scatter [tilespmem:s19], [sflag:$0x2], $0x2000, $0x38;
	[tilespmem:$0x1B000] =	vst v63  }
0x22: {  	_ =	swait.ge [sflag:s20], $0x2000  }
0x23: {  	[sflag:s20] =	ssyncset.done $0x0  }
0x24: {  	[sflag:s20] =	ssyncadd.s32 $0xFFFFE000  }
0x25: {  	[spmem:s8] =	stream.linear.scatter [tilespmem:s19], [sflag:$0x2], $0x2000, $0x38;
	[tilespmem:$0x1B000] =	vst v63  }
0x26: {  	_ =	swait.ge [sflag:s20], $0x2000  }
0x27: {  	[sflag:s20] =	ssyncset.done $0x0  }
0x28: {  	[sflag:s20] =	ssyncadd.s32 $0xFFFFE000  }
0x29: {  	[spmem:s9] =	stream.linear.scatter [tilespmem:s19], [sflag:$0x2], $0x2000, $0x38;
	[tilespmem:$0x1B000] =	vst v63  }
0x2a: {  	_ =	swait.ge [sflag:s20], $0x2000  }
0x2b: {  	[sflag:s20] =	ssyncset.done $0x0  }
0x2c: {  	[sflag:s20] =	ssyncadd.s32 $0xFFFFE000  }
0x2d: {  	[spmem:s10] =	stream.linear.scatter [tilespmem:s19], [sflag:$0x2], $0x2000, $0x38;
	[tilespmem:$0x1B000] =	vst v63  }
0x2e: {  	_ =	swait.ge [sflag:s20], $0x2000  }
0x2f: {  	[sflag:s20] =	ssyncset.done $0x0  }
0x30: {  	[sflag:s20] =	ssyncadd.s32 $0xFFFFE000  }
0x31: {  	[spmem:s11] =	stream.linear.scatter [tilespmem:s19], [sflag:$0x2], $0x2000, $0x38;
	[tilespmem:$0x1B000] =	vst v63  }
0x32: {  	_ =	swait.ge [sflag:s20], $0x2000  }
0x33: {  	[sflag:s20] =	ssyncset.done $0x0  }
0x34: {  	[sflag:s20] =	ssyncadd.s32 $0xFFFFE000  }
0x35: {  	[spmem:s12] =	stream.linear.scatter [tilespmem:s19], [sflag:$0x2], $0x2000, $0x38;
	[tilespmem:$0x1B000] =	vst v63  }
0x36: {  	_ =	swait.ge [sflag:s20], $0x2000  }
0x37: {  	[sflag:s20] =	ssyncset.done $0x0  }
0x38: {  	[sflag:s20] =	ssyncadd.s32 $0xFFFFE000  }
0x39: {  	s14 =	sadd.s32 $0x0, s16;
	[bflag:$0x0] =	sbarrier.arrive $0xFFFF  }
0x3a: {  	[tilespmem:s21], [sflag:$0x2] =	stream.linear.gather [hbm4b:s14+s3], $0x800, $0x38;
	[tilespmem:$0x1B000] =	vst v63  }
0x3b: {  	_ =	swait.ge [sflag:s20], $0x800  }
0x3c: {  	[sflag:s20] =	ssyncset.done $0x0  }
0x3d: {  	s31 =	sadd.s32 $0x0, s17;
	[sflag:s20] =	ssyncadd.s32 $0xFFFFF800  }
0x3e: {  	[tilespmem:s22], [sflag:$0x2] =	stream.linear.gather [hbm4b:s31+s3], $0x800, $0x38;
	[tilespmem:$0x1B000] =	vst v63  }
0x3f: {  	_ =	swait.ge [sflag:s20], $0x800  }
0x40: {  	[sflag:s20] =	ssyncset.done $0x0  }
0x41: {  	[sflag:s20] =	ssyncadd.s32 $0xFFFFF800  }
0x42: {  	[tilespmem:s24], [sflag:$0x1] =	stream.indirect.gather [hbm4b:s4+s23], $0x10, s21, s23, $0xb8;
	[tilespmem:$0x1B000] =	vst v63  }
0x43: {  	_ =	swait.ge [sflag:s25], $0x8000  }
0x44: {  	[sflag:s25] =	ssyncset.done $0x0  }
0x45: {  	[sflag:s25] =	ssyncadd.s32 $0xFFFF8000  }
0x46: {  	[spmem:s2] =	stream.indirect.scatter.add.f32 [tilespmem:s24], [sflag:$0x2], $0x10, s22, s23, $0xb8;
	[tilespmem:$0x1B000] =	vst v63  }
0x47: {  	_ =	swait.ge [sflag:s20], $0x8000  }
0x48: {  	s29 =	simm.s32 $0x100;
	s30 =	simm.s32 $0x200;
	[sflag:s20] =	ssyncset.done $0x0  }
.LBB2_4:
0x49: {  	s0 =	sadd.s32 s29, s16  }
0x4a: {  	[sflag:s20] =	ssyncadd.s32 $0xFFFF8000;
	s31 =	smov.u32 s30;
	s1 =	sadd.s32 $0x100, s30  }
0x4b: {  	[tilespmem:s21], [sflag:$0x2] =	stream.linear.gather [hbm4b:s0+s3], $0x800, $0x38;
	[tilespmem:$0x1B000] =	vst v63  }
0x4c: {  	p0 =	sne.s32 s30, $0x1F00;
	_ =	swait.ge [sflag:s20], $0x800  }
0x4d: {  	[sflag:s20] =	ssyncset.done $0x0  }
0x4e: {  	s0 =	sadd.s32 s29, s17;
	s29 =	smov.u32 s31;
	[sflag:s20] =	ssyncadd.s32 $0xFFFFF800  }
0x4f: {  	[tilespmem:s22], [sflag:$0x2] =	stream.linear.gather [hbm4b:s0+s3], $0x800, $0x38;
	[tilespmem:$0x1B000] =	vst v63  }
0x50: {  	_ =	swait.ge [sflag:s20], $0x800  }
0x51: {  	[sflag:s20] =	ssyncset.done $0x0  }
0x52: {  	[sflag:s20] =	ssyncadd.s32 $0xFFFFF800  }
0x53: {  	[tilespmem:s24], [sflag:$0x1] =	stream.indirect.gather [hbm4b:s4+s23], $0x10, s21, s23, $0xb8;
	[tilespmem:$0x1B000] =	vst v63  }
0x54: {  	_ =	swait.ge [sflag:s25], $0x8000  }
.Ltmp1:
0x55: {  	[sflag:s25] =	ssyncset.done $0x0;
	(pc) =	sbr.rel @p0 .LBB2_4-.Ltmp1, $4  }
0x56: {  	[sflag:s25] =	ssyncadd.s32 $0xFFFF8000  }
0x57: {  	[spmem:s2] =	stream.indirect.scatter.add.f32 [tilespmem:s24], [sflag:$0x2], $0x10, s22, s23, $0xb8;
	[tilespmem:$0x1B000] =	vst v63  }
0x58: {  	_ =	swait.ge [sflag:s20], $0x8000  }
0x59: {  	s30 =	smov.u32 s1;
	[sflag:s20] =	ssyncset.done $0x0  }
0x5a: {  	s0 =	sadd.s32 s29, s16;
	[sflag:s20] =	ssyncadd.s32 $0xFFFF8000  }
0x5b: {  	[tilespmem:s21], [sflag:$0x2] =	stream.linear.gather [hbm4b:s0+s3], $0x800, $0x38;
	[tilespmem:$0x1B000] =	vst v63  }
0x5c: {  	_ =	swait.ge [sflag:s20], $0x800  }
0x5d: {  	[sflag:s20] =	ssyncset.done $0x0  }
0x5e: {  	s13 =	sadd.s32 s29, s17;
	[sflag:s20] =	ssyncadd.s32 $0xFFFFF800  }
0x5f: {  	[tilespmem:s22], [sflag:$0x2] =	stream.linear.gather [hbm4b:s13+s3], $0x800, $0x38;
	[tilespmem:$0x1B000] =	vst v63  }
0x60: {  	_ =	swait.ge [sflag:s20], $0x800  }
0x61: {  	[sflag:s20] =	ssyncset.done $0x0  }
0x62: {  	[sflag:s20] =	ssyncadd.s32 $0xFFFFF800  }
0x63: {  	[tilespmem:s24], [sflag:$0x1] =	stream.indirect.gather [hbm4b:s4+s23], $0x10, s21, s23, $0xb8;
	[tilespmem:$0x1B000] =	vst v63  }
0x64: {  	_ =	swait.ge [sflag:s25], $0x8000  }
0x65: {  	[sflag:s25] =	ssyncset.done $0x0  }
0x66: {  	[sflag:s25] =	ssyncadd.s32 $0xFFFF8000  }
0x67: {  	[spmem:s2] =	stream.indirect.scatter.add.f32 [tilespmem:s24], [sflag:$0x2], $0x10, s22, s23, $0xb8;
	[tilespmem:$0x1B000] =	vst v63  }
0x68: {  	_ =	swait.ge [sflag:s20], $0x8000  }
0x69: {  	[sflag:s20] =	ssyncset.done $0x0  }
0x6a: {  	s14 =	stileid.u32;
	[sflag:s20] =	ssyncadd.s32 $0xFFFF8000  }
0x6b: {  	s0 =	sshll.u32 s14, $0x6;
	[bflag:$0x0] =	sbarrier.arrive $0xFFFF  }
0x6c: {  	s30 =	sshrl.u32 s5, $0x3;
	s29 =	sor.u32 $0x1C02, s0;
	s1 =	rddreg [dreg:$0x3]  }
0x6d: {  	[hbm:s1@s26], [sflag:s29] =	dma.strided [spmem:s30@s20], $0x2000, s25, $0x2   }
0x6e: {  	_ =	swait.ge [sflag:s20], $0x2000  }
0x6f: {  	[sflag:s20] =	ssyncset.done $0x0  }
0x70: {  	[sflag:s20] =	ssyncadd.s32 $0xFFFFE000  }
0x71: {  	[bflag:$0x0] =	sbarrier.arrive $0xFFFF  }
0x72: {  	[spmem:s5] =	stream.linear.scatter [tilespmem:s19], [sflag:$0x2], $0x2000, $0x38;
	[tilespmem:$0x1B000] =	vst v63  }
0x73: {  	_ =	swait.ge [sflag:s20], $0x2000  }
0x74: {  	[sflag:s20] =	ssyncset.done $0x0  }
0x75: {  	[sflag:s20] =	ssyncadd.s32 $0xFFFFE000  }
0x76: {  	[spmem:s6] =	stream.linear.scatter [tilespmem:s19], [sflag:$0x2], $0x2000, $0x38;
	[tilespmem:$0x1B000] =	vst v63  }
0x77: {  	_ =	swait.ge [sflag:s20], $0x2000  }
0x78: {  	[sflag:s20] =	ssyncset.done $0x0  }
0x79: {  	[sflag:s20] =	ssyncadd.s32 $0xFFFFE000  }
0x7a: {  	[spmem:s7] =	stream.linear.scatter [tilespmem:s19], [sflag:$0x2], $0x2000, $0x38;
	[tilespmem:$0x1B000] =	vst v63  }
0x7b: {  	_ =	swait.ge [sflag:s20], $0x2000  }
0x7c: {  	[sflag:s20] =	ssyncset.done $0x0  }
0x7d: {  	[sflag:s20] =	ssyncadd.s32 $0xFFFFE000  }
0x7e: {  	[spmem:s8] =	stream.linear.scatter [tilespmem:s19], [sflag:$0x2], $0x2000, $0x38;
	[tilespmem:$0x1B000] =	vst v63  }
0x7f: {  	_ =	swait.ge [sflag:s20], $0x2000  }
0x80: {  	[sflag:s20] =	ssyncset.done $0x0  }
0x81: {  	[sflag:s20] =	ssyncadd.s32 $0xFFFFE000  }
0x82: {  	[spmem:s9] =	stream.linear.scatter [tilespmem:s19], [sflag:$0x2], $0x2000, $0x38;
	[tilespmem:$0x1B000] =	vst v63  }
0x83: {  	_ =	swait.ge [sflag:s20], $0x2000  }
0x84: {  	[sflag:s20] =	ssyncset.done $0x0  }
0x85: {  	[sflag:s20] =	ssyncadd.s32 $0xFFFFE000  }
0x86: {  	[spmem:s10] =	stream.linear.scatter [tilespmem:s19], [sflag:$0x2], $0x2000, $0x38;
	[tilespmem:$0x1B000] =	vst v63  }
0x87: {  	_ =	swait.ge [sflag:s20], $0x2000  }
0x88: {  	[sflag:s20] =	ssyncset.done $0x0  }
0x89: {  	[sflag:s20] =	ssyncadd.s32 $0xFFFFE000  }
0x8a: {  	[spmem:s11] =	stream.linear.scatter [tilespmem:s19], [sflag:$0x2], $0x2000, $0x38;
	[tilespmem:$0x1B000] =	vst v63  }
0x8b: {  	_ =	swait.ge [sflag:s20], $0x2000  }
0x8c: {  	[sflag:s20] =	ssyncset.done $0x0  }
0x8d: {  	[sflag:s20] =	ssyncadd.s32 $0xFFFFE000  }
0x8e: {  	[spmem:s12] =	stream.linear.scatter [tilespmem:s19], [sflag:$0x2], $0x2000, $0x38;
	[tilespmem:$0x1B000] =	vst v63  }
0x8f: {  	_ =	swait.ge [sflag:s20], $0x2000  }
0x90: {  	[sflag:s20] =	ssyncset.done $0x0  }
0x91: {  	[sflag:s20] =	ssyncadd.s32 $0xFFFFE000  }
0x92: {  	s13 =	sadd.s32 $0x0, s18;
	[bflag:$0x0] =	sbarrier.arrive $0xFFFF  }
0x93: {  	[tilespmem:s21], [sflag:$0x2] =	stream.linear.gather [hbm4b:s13+s3], $0x800, $0x38;
	[tilespmem:$0x1B000] =	vst v63  }
0x94: {  	_ =	swait.ge [sflag:s20], $0x800  }
0x95: {  	[sflag:s20] =	ssyncset.done $0x0  }
0x96: {  	s14 =	sadd.s32 $0x0, s17;
	[sflag:s20] =	ssyncadd.s32 $0xFFFFF800  }
0x97: {  	[tilespmem:s22], [sflag:$0x2] =	stream.linear.gather [hbm4b:s14+s3], $0x800, $0x38;
	[tilespmem:$0x1B000] =	vst v63  }
0x98: {  	_ =	swait.ge [sflag:s20], $0x800  }
0x99: {  	[sflag:s20] =	ssyncset.done $0x0  }
0x9a: {  	[sflag:s20] =	ssyncadd.s32 $0xFFFFF800  }
0x9b: {  	[tilespmem:s24], [sflag:$0x1] =	stream.indirect.gather [hbm4b:s4+s23], $0x10, s21, s23, $0xb8;
	[tilespmem:$0x1B000] =	vst v63  }
0x9c: {  	_ =	swait.ge [sflag:s25], $0x8000  }
0x9d: {  	[sflag:s25] =	ssyncset.done $0x0  }
0x9e: {  	[sflag:s25] =	ssyncadd.s32 $0xFFFF8000  }
0x9f: {  	[spmem:s2] =	stream.indirect.scatter.add.f32 [tilespmem:s24], [sflag:$0x2], $0x10, s22, s23, $0xb8;
	[tilespmem:$0x1B000] =	vst v63  }
0xa0: {  	_ =	swait.ge [sflag:s20], $0x8000  }
0xa1: {  	s31 =	simm.s32 $0x100;
	s0 =	simm.s32 $0x200;
	[sflag:s20] =	ssyncset.done $0x0  }
.LBB2_6:
0xa2: {  	s1 =	sadd.s32 s31, s18  }
0xa3: {  	[sflag:s20] =	ssyncadd.s32 $0xFFFF8000;
	s13 =	smov.u32 s0;
	s14 =	sadd.s32 $0x100, s0  }
0xa4: {  	[tilespmem:s21], [sflag:$0x2] =	stream.linear.gather [hbm4b:s1+s3], $0x800, $0x38;
	[tilespmem:$0x1B000] =	vst v63  }
0xa5: {  	p0 =	sne.s32 s0, $0x1F00;
	_ =	swait.ge [sflag:s20], $0x800  }
0xa6: {  	[sflag:s20] =	ssyncset.done $0x0  }
0xa7: {  	s0 =	sadd.s32 s31, s17;
	s31 =	smov.u32 s13;
	[sflag:s20] =	ssyncadd.s32 $0xFFFFF800  }
0xa8: {  	[tilespmem:s22], [sflag:$0x2] =	stream.linear.gather [hbm4b:s0+s3], $0x800, $0x38;
	[tilespmem:$0x1B000] =	vst v63  }
0xa9: {  	_ =	swait.ge [sflag:s20], $0x800  }
0xaa: {  	[sflag:s20] =	ssyncset.done $0x0  }
0xab: {  	[sflag:s20] =	ssyncadd.s32 $0xFFFFF800  }
0xac: {  	[tilespmem:s24], [sflag:$0x1] =	stream.indirect.gather [hbm4b:s4+s23], $0x10, s21, s23, $0xb8;
	[tilespmem:$0x1B000] =	vst v63  }
0xad: {  	_ =	swait.ge [sflag:s25], $0x8000  }
.Ltmp2:
0xae: {  	[sflag:s25] =	ssyncset.done $0x0;
	(pc) =	sbr.rel @p0 .LBB2_6-.Ltmp2, $4  }
0xaf: {  	[sflag:s25] =	ssyncadd.s32 $0xFFFF8000  }
0xb0: {  	[spmem:s2] =	stream.indirect.scatter.add.f32 [tilespmem:s24], [sflag:$0x2], $0x10, s22, s23, $0xb8;
	[tilespmem:$0x1B000] =	vst v63  }
0xb1: {  	_ =	swait.ge [sflag:s20], $0x8000  }
0xb2: {  	s0 =	smov.u32 s14;
	[sflag:s20] =	ssyncset.done $0x0  }
0xb3: {  	s0 =	sadd.s32 s31, s18;
	[sflag:s20] =	ssyncadd.s32 $0xFFFF8000  }
0xb4: {  	[tilespmem:s21], [sflag:$0x2] =	stream.linear.gather [hbm4b:s0+s3], $0x800, $0x38;
	[tilespmem:$0x1B000] =	vst v63  }
0xb5: {  	_ =	swait.ge [sflag:s20], $0x800  }
0xb6: {  	[sflag:s20] =	ssyncset.done $0x0  }
0xb7: {  	s14 =	sadd.s32 s31, s17;
	[sflag:s20] =	ssyncadd.s32 $0xFFFFF800  }
0xb8: {  	[tilespmem:s22], [sflag:$0x2] =	stream.linear.gather [hbm4b:s14+s3], $0x800, $0x38;
	[tilespmem:$0x1B000] =	vst v63  }
0xb9: {  	_ =	swait.ge [sflag:s20], $0x800  }
0xba: {  	[sflag:s20] =	ssyncset.done $0x0  }
0xbb: {  	[sflag:s20] =	ssyncadd.s32 $0xFFFFF800  }
0xbc: {  	[tilespmem:s24], [sflag:$0x1] =	stream.indirect.gather [hbm4b:s4+s23], $0x10, s21, s23, $0xb8;
	[tilespmem:$0x1B000] =	vst v63  }
0xbd: {  	_ =	swait.ge [sflag:s25], $0x8000  }
0xbe: {  	[sflag:s25] =	ssyncset.done $0x0  }
0xbf: {  	[sflag:s25] =	ssyncadd.s32 $0xFFFF8000  }
0xc0: {  	[spmem:s2] =	stream.indirect.scatter.add.f32 [tilespmem:s24], [sflag:$0x2], $0x10, s22, s23, $0xb8;
	[tilespmem:$0x1B000] =	vst v63  }
0xc1: {  	_ =	swait.ge [sflag:s20], $0x8000  }
0xc2: {  	[sflag:s20] =	ssyncset.done $0x0  }
0xc3: {  	[sflag:s20] =	ssyncadd.s32 $0xFFFF8000  }
0xc4: {  	s28 =	sadd.s32 $0x1, s28;
	[bflag:$0x0] =	sbarrier.arrive $0xFFFF  }
0xc5: {  	p0 =	sne.s32 s28, s15;
	s31 =	rddreg [dreg:$0x4]  }
0xc6: {  	[hbm:s31@s26], [sflag:s29] =	dma.strided [spmem:s30@s20], $0x2000, s25, $0x2   }
.Ltmp3:
0xc7: {  	_ =	swait.ge [sflag:s20], $0x2000;
	(pc) =	sbr.rel @p0 .LBB2_1-.Ltmp3, $3  }
0xc8: {  	[sflag:s20] =	ssyncset.done $0x0  }
0xc9: {  	[sflag:s20] =	ssyncadd.s32 $0xFFFFE000  }
0xca: {  	[bflag:$0x0] =	sbarrier.arrive $0xFFFF;
	_ =	sdelay $0x1  }
0xcb: {  	_ =	sfence.sel $0x180000  }
0xcc: {  	[bflag:$0x0] =	sbarrier.arrive $0xFFFF  }
0xcd: {  	_ =	strace $0x9000004A  }
0xce: {  	s0 =	stileid.u32;
	[bflag:$0x2] =	sbarrier.arrive $0xFFFF  }
0xcf: {  	p0 =	sne.s32 s0, $0x0;
	s0 =	rddreg [dreg:$0x2]  }
0xd0: {  	s0 =	sadd.s32 @!p0 $0x100000, s0  }
0xd1: {  	[sflag:s0] =	ssyncadd.tile.s32 @!p0 $0x1;
	_ =	shalt  }
.Lfunc_end2:
_tile_overlayer_lowered:
.L_overlay_start_2:
0xd2: {  	(tag) =	ssettag $0x2  }
0xd3: {  	s0 =	rddreg [dreg:$0x0];
	s2 =	stileid.u32  }
0xd4: {  	s1 =	rddreg [dreg:$0x1];
	p0 =	sne.s32 s2, $0x0  }
0xd5: {  	s3 =	rddreg [dreg:$0x2];
	[bflag:$0x3] =	sbarrier.arrive $0xFFFF;
	s2 =	simm.s32 @!p0 $0x1C02  }
0xd6: {  	[timem:s3], [sflag:s2] =	dma.local @!p0 [hbm:s0], s1  }
0xd7: {  	s0 =	simm.s32 @!p0 $0x2  }
0xd8: {  	_ =	swait.ge @!p0 [sflag:s0], s1  }
0xd9: {  	s1 =	ssub.s32 @!p0 $0x0, s1;
	[sflag:s0] =	ssyncset.done @!p0 $0x0  }
0xda: {  	[sflag:s0] =	ssyncadd.s32 @!p0 s1  }
0xdb: {  	[bflag:$0x3] =	sbarrier.arrive $0xFFFF  }
0xdc: {  	_ =	shalt  }

// kernel: kernel.13.cloned.1.call-start
scs
__scs_entry_jumppad:
0x0: {  	(pc) =	sbr.rel $0x88, $3  }
0x1: {  	(tag) =	ssettag $0x0;
	lr =	simm.s32 $0x1  }
0x2: {  	[smem:$0x3F90] =	sst lr;
	_ =	strace $0xD0000000  }
0x3: {  	_ = 	snop  }
0x4: {  	_ = 	snop  }
0x5: {  	_ = 	snop  }
0x6: {  	_ = 	snop  }
0x7: {  	_ = 	snop  }
__scs_overlays_trampoline_lowered:
0x8: {  	[smem:$0x3F9F] =	sst s0  }
0x9: {  	[smem:$0x3FA0] =	sst s1  }
0xa: {  	[smem:$0x3FA1] =	sst s2  }
0xb: {  	[smem:$0x3FA2] =	sst s3  }
0xc: {  	[smem:$0x3FA3] =	sst s4  }
0xd: {  	[smem:$0x3FA4] =	sst s5  }
0xe: {  	[smem:$0x3FA5] =	sst s6  }
0xf: {  	[smem:$0x3FA6] =	sst s7  }
0x10: {  	[smem:$0x3FA7] =	sst s8  }
0x11: {  	[smem:$0x3FA8] =	sst s9;
	s0 =	simm.s32 @!p0 $0x0  }
0x12: {  	s1 =	sld [smem:$0x3F8E];
	s0 =	simm.s32 @p0 $0x1  }
0x13: {  	[smem:$0x3FA9] =	sst s0;
	s0 =	simm.s32 @!p1 $0x0  }
0x14: {  	s2 =	sld [smem:$0x3F8D];
	s0 =	simm.s32 @p1 $0x1  }
0x15: {  	[smem:$0x3FAA] =	sst s0;
	s0 =	simm.s32 @!p2 $0x0  }
0x16: {  	s3 =	sld [smem:$0x3FDB];
	s0 =	simm.s32 @p2 $0x1  }
0x17: {  	s4 =	simm.s32 $0x1BF5;
	[smem:$0x3FAC] =	sst s0  }
0x18: {  	s0 =	sld [smem:$0x3F8F];
	_ =	swait.ge [sflag:s4], $0x0  }
0x19: {  	s7 =	sld [smem:$0x3F90]  }
0x1a: {  	s8 =	sadd.s32 $0xFFFFE003, lr  }
0x1b: {  	s9 =	sadd.s32 $0xFFFFFEF7, lr;
	s5 =	simm.s32 $0xFFFFFFFF;
	p2 =	slt.u32 s8, $0xFFFFF086  }
0x1c: {  	p1 =	slt.u32 s9, $0xF7A;
	s5 =	simm.s32 @!p2 $0x0  }
0x1d: {  	s5 =	simm.s32 @p1 $0x1;
	p0 =	seq.s32 s7, s2  }
0x1e: {  	s7 =	smul.u32 @!p0 $0xF7A, s2;
	p2 =	seq.s32 @!p0 s5, $0x0  }
0x1f: {  	s9 =	smul.u32 $0xF7A, s1;
	s8 =	simm.s32 @!p0 $0x1BF5;
	p2 =	por !p2, p0  }
0x20: {  	[sflag:s8] =	ssyncset.s32 @!p0 $0xFFFFF086;
	s6 =	sadd.s32 @!p0 s3, s7;
	s7 =	simm.s32 @!p0 $0x108  }
0x21: {  	s3 =	sadd.s32 s3, s9;
	s6 =	sadd.s32 @!p0 $0x88, s6;
	s7 =	simm.s32 @p2 $0x1082  }
0x22: {  	[simem:s7], [sflag:s8] =	dma.local @!p0 [hbm:s6], $0xF7A  }
0x23: {  	s9 =	sor.u32 $0xD0000000, s2;
	s6 =	simm.s32 $0x108;
	_ =	swait.ge @!p0 [sflag:s8], $0x0  }
0x24: {  	s3 =	sadd.s32 $0x88, s3;
	s6 =	simm.s32 @!p1 $0x1082;
	[sflag:s4] =	ssyncset.s32 $0xFFFFF086  }
0x25: {  	[simem:s6], [sflag:s4] =	dma.local [hbm:s3], $0xF7A  }
0x26: {  	[smem:$0x3F90] =	sst s1;
	(tag) =	ssettag s2;
	_ =	strace s9  }
0x27: {  	s1 =	sld [smem:$0x3FA0]  }
0x28: {  	s2 =	sld [smem:$0x3FA1]  }
0x29: {  	s4 =	sld [smem:$0x3FA3]  }
0x2a: {  	p0 =	seq.s32 s5, $0x0;
	s5 =	sld [smem:$0x3FA4]  }
0x2b: {  	s6 =	sld [smem:$0x3FA5]  }
0x2c: {  	s7 =	sld [smem:$0x3FA6]  }
0x2d: {  	s3 =	simm.s32 $0x108;
	s8 =	sld [smem:$0x3FA7]  }
0x2e: {  	s3 =	simm.s32 @!p0 $0x1082;
	s9 =	sld [smem:$0x3FA8]  }
0x2f: {  	lr =	sadd.s32 s0, s3;
	s0 =	sld [smem:$0x3F9F]  }
0x30: {  	s3 =	sld [smem:$0x3FA2]  }
0x31: {  	[smem:$0x3FAB] =	sst s10  }
0x32: {  	s10 =	sld [smem:$0x3FA9];
	_ =	sdelay $0x3  }
0x33: {  	p0 =	seq.s32 s10, $0x1;
	s10 =	sld [smem:$0x3FAB];
	_ =	sdelay $0x3  }
0x34: {  	[smem:$0x3FAB] =	sst s10  }
0x35: {  	s10 =	sld [smem:$0x3FAA];
	_ =	sdelay $0x3  }
0x36: {  	p1 =	seq.s32 s10, $0x1;
	s10 =	sld [smem:$0x3FAB];
	_ =	sdelay $0x3  }
0x37: {  	[smem:$0x3FAB] =	sst s10  }
0x38: {  	s10 =	sld [smem:$0x3FAC]  }
0x39: {  	_ = 	snop;
	(pc) =	sbr.ind lr, $3  }
0x3a: {  	_ = 	snop  }
0x3b: {  	_ = 	snop  }
0x3c: {  	p2 =	seq.s32 s10, $0x1;
	s10 =	sld [smem:$0x3FAB]  }
0x3d: {  	_ =	shalt  }
0x3e: {  	_ =	shalt  }
0x3f: {  	_ =	shalt  }
0x40: {  	_ =	shalt  }
0x41: {  	_ =	shalt  }
0x42: {  	_ =	shalt  }
0x43: {  	_ =	shalt  }
0x44: {  	_ =	shalt  }
0x45: {  	_ =	shalt  }
0x46: {  	_ =	shalt  }
0x47: {  	_ =	shalt  }
0x48: {  	_ =	shalt  }
0x49: {  	_ =	shalt  }
0x4a: {  	_ =	shalt  }
0x4b: {  	_ =	shalt  }
0x4c: {  	_ =	shalt  }
0x4d: {  	_ =	shalt  }
0x4e: {  	_ =	shalt  }
0x4f: {  	_ =	shalt  }
0x50: {  	_ =	shalt  }
0x51: {  	_ =	shalt  }
0x52: {  	_ =	shalt  }
0x53: {  	_ =	shalt  }
0x54: {  	_ =	shalt  }
0x55: {  	_ =	shalt  }
0x56: {  	_ =	shalt  }
0x57: {  	_ =	shalt  }
0x58: {  	_ =	shalt  }
0x59: {  	_ =	shalt  }
0x5a: {  	_ =	shalt  }
0x5b: {  	_ =	shalt  }
0x5c: {  	_ =	shalt  }
0x5d: {  	_ =	shalt  }
0x5e: {  	_ =	shalt  }
0x5f: {  	_ =	shalt  }
0x60: {  	_ =	shalt  }
0x61: {  	_ =	shalt  }
0x62: {  	_ =	shalt  }
0x63: {  	_ =	shalt  }
0x64: {  	_ =	shalt  }
0x65: {  	_ =	shalt  }
0x66: {  	_ =	shalt  }
0x67: {  	_ =	shalt  }
0x68: {  	_ =	shalt  }
0x69: {  	_ =	shalt  }
0x6a: {  	_ =	shalt  }
0x6b: {  	_ =	shalt  }
0x6c: {  	_ =	shalt  }
0x6d: {  	_ =	shalt  }
0x6e: {  	_ =	shalt  }
0x6f: {  	_ =	shalt  }
0x70: {  	_ =	shalt  }
0x71: {  	_ =	shalt  }
0x72: {  	_ =	shalt  }
0x73: {  	_ =	shalt  }
0x74: {  	_ =	shalt  }
0x75: {  	_ =	shalt  }
0x76: {  	_ =	shalt  }
0x77: {  	_ =	shalt  }
0x78: {  	_ =	shalt  }
0x79: {  	_ =	shalt  }
0x7a: {  	_ =	shalt  }
0x7b: {  	_ =	shalt  }
0x7c: {  	_ =	shalt  }
0x7d: {  	_ =	shalt  }
0x7e: {  	_ =	shalt  }
0x7f: {  	_ =	shalt  }
0x80: {  	_ =	shalt  }
0x81: {  	_ =	shalt  }
0x82: {  	_ =	shalt  }
0x83: {  	_ =	shalt  }
0x84: {  	_ =	shalt  }
0x85: {  	_ =	shalt  }
0x86: {  	_ =	shalt  }
0x87: {  	_ =	shalt  }
.Lfunc_end0:
.L_simem_size_0:
called_computation.2_lowered:
.L_overlay_start_0:
0x88: {  	s2 =	sld [smem:$0x3FD9]  }
0x89: {  	s3 =	sld [smem:$0x3FFE];
	_ =	sdelay $0x1  }
0x8a: {  	s1 =	srdreg.scid  }
0x8b: {  	s0 =	sand.u32 $0x1, s1  }
0x8c: {  	s16 =	sshll.u32 s0, $0xA;
	s2 =	sadd.s32 s3, s2  }
0x8d: {  	s2 =	sadd.s32 s2, s16  }
0x8e: {  	[smem:$0x3FB7] =	sst s2  }
0x8f: {  	_ = 	snop  }
0x90: {  	(tm) =	ssettm $0x1  }
0x91: {  	s17 =	sld [smem:$0x3FFB];
	_ =	sdelay $0x3  }
0x92: {  	_ =	strace s17  }
0x93: {  	s2 =	sld [smem:$0x3FFC];
	_ =	sdelay $0x3  }
0x94: {  	_ =	strace s2  }
0x95: {  	s2 =	sld [smem:$0x3FFD];
	_ =	sdelay $0x3  }
0x96: {  	_ =	strace s2  }
0x97: {  	_ =	strace $0x8FFFFFFF  }
0x98: {  	s18 =	sld [smem:$0x3FDB];
	_ =	sdelay $0x1  }
0x99: {  	s19 =	simm.s32 $_scs_section_size  }
0x9a: {  	s4 =	simm.s32 $_size__tile_overlayer_lowered;
	s5 =	simm.s32 $_tile_overlayer_lowered  }
0x9b: {  	s22 =	simm.s32 $0x1BFF;
	s21 =	sshll.u32 s5, $0x1;
	s2 =	sadd.s32 s19, s18  }
0x9c: {  	s6 =	simm.s32 $0x0;
	s20 =	sshll.u32 s4, $0x1;
	s4 =	sadd.s32 s21, s2  }
0x9d: {  	[timem:s6], [sflag:s22] =	dma.local [hbm:s4], s20  }
0x9e: {  	_ =	swait.ge [sflag:s22], s20  }
0x9f: {  	s3 =	ssub.s32 $0x0, s20;
	[sflag:s22] =	ssyncset.done $0x0  }
0xa0: {  	[sflag:s22] =	ssyncadd.s32 s3;
	_ =	sdelay $0x1  }
0xa1: {  	s23 =	simm.s32 $0x1B8B  }
0xa2: {  	_ =	swait.ge [sflag:s23], $0x1  }
0xa3: {  	[sflag:s23] =	ssyncset.done $0x0  }
0xa4: {  	s25 =	simm.s32 $0x1B8E;
	s24 =	sld [smem:$0x3FFE];
	[sflag:s23] =	ssyncadd.s32 $0xFFFFFFFF  }
0xa5: {  	s26 =	simm.s32 $execute0_lowered;
	[smem:$0x3FD2] =	sst s25  }
0xa6: {  	s4 =	sshll.u32 s26, $0x1;
	_ =	strace $0x8000004C;
	[dreg:$0x1] =	wrdreg $0xFFFFFFFF  }
0xa7: {  	s28 =	simm.s32 $_size_execute0_lowered;
	s2 =	sadd.s32 s2, s4;
	[dreg:$0x0] =	wrdreg $0x0  }
0xa8: {  	s4 =	sshll.u32 s28, $0x1;
	[dreg:$0x2] =	wrdreg s2  }
0xa9: {  	[dreg:$0x3] =	wrdreg s4  }
0xaa: {  	[dreg:$0x4] =	wrdreg $0xC0  }
0xab: {  	_ =	task [dreg:s6], $0x5FFFF  }
0xac: {  	[dreg:$0x1] =	wrdreg $0xFFFFFFFF  }
0xad: {  	[dreg:$0x0] =	wrdreg $0x60  }
0xae: {  	[dreg:$0x2] =	wrdreg s24  }
0xaf: {  	[dreg:$0x3] =	wrdreg $0x0  }
0xb0: {  	[dreg:$0x4] =	wrdreg $0x9  }
0xb1: {  	_ =	task.clear_ibuf [dreg:s6], $0x5FFFF;
	_ =	strace $0x9000004C  }
0xb2: {  	s29 =	simm.s32 $0x9;
	_ =	strace $0x8000004E  }
0xb3: {  	_ =	swait.ge [sflag:s29], $0x1  }
0xb4: {  	[sflag:s29] =	ssyncadd.s32 $0xFFFFFFFF  }
0xb5: {  	_ =	strace $0x9000004E  }
0xb6: {  	_ =	sfence  }
0xb7: {  	s30 =	sld [smem:$0x0];
	_ =	sdelay $0x2  }
0xb8: {  	s31 =	sshll.u32 s1, $0xD;
	s1 =	sshrl.u32 s1, $0x2  }
0xb9: {  	s3 =	sand.u32 $0x4000, s31;
	s1 =	sadd.s32 s1, s30  }
0xba: {  	s0 =	sor.u32 s3, s0;
	s1 =	sshll.u32 s1, $0x11  }
0xbb: {  	s0 =	sor.u32 s1, s0  }
0xbc: {  	s0 =	sadd.s32 $0x8F2B, s0  }
0xbd: {  	[sflag:s0] =	ssyncadd.remote.s32 $0x1  }
0xbe: {  	_ =	sfence.sel $0xFFFF  }
0xbf: {  	[dreg:$0x0] =	wrdreg $0xFFFFFFFF;
	(pc) =	sbr.abs _section_cstart, $3  }
0xc0: {  	[dreg:$0x1] =	wrdreg $0xFFFFFFFF  }
0xc1: {  	_ =	task.clear_ibuf [dreg:s6], $0x2FFFF;
	_ =	strace $0x9FFFFFFF  }
0xc2: {  	(tm) =	ssettm $0x7FFFFFFF  }
0xc3: {  	_ =	shalt  }
tec
execute0_lowered:
.L_overlay_start_1:
0x0: {  	(tag) =	ssettag $0x1  }
0x1: {  	s0 =	rddreg [dreg:$0x0]  }
0x2: {  	s2 =	rddreg [dreg:$0x1]  }
0x3: {  	s3 =	srdreg.scid;
	s1 =	stileid.u32;
	s19 =	simm.s32 $0x10000  }
0x4: {  	s20 =	simm.s32 $0x2;
	s21 =	simm.s32 $0x12000;
	s22 =	simm.s32 $0x12800  }
0x5: {  	s23 =	simm.s32 $0x800;
	s28 =	simm.s32 $0x0;
	s5 =	sand.u32 $0x1, s3  }
0x6: {  	s3 =	simm.s32 $0x0;
	s4 =	sshll.u32 s1, $0x10;
	s24 =	sshll.u32 s1, $0xD  }
0x7: {  	s25 =	sshll.u32 s1, $0x12;
	s6 =	sshll.u32 s5, $0x14;
	[smem:$0x7FF] =	sst s3  }
0x8: {  	s17 =	sadd.s32 s24, s0;
	s7 =	sshll.u32 s5, $0x4;
	s8 =	ssub.s32 $0x2, s5  }
0x9: {  	s26 =	sshrl.u32 s25, $0x2;
	s24 =	simm.s32 $0x13000;
	s4 =	sor.u32 s4, s6  }
0xa: {  	_ =	strace $0x8000004D;
	s7 =	sor.u32 s7, s25;
	s30 =	sshrl.u32 s8, $0x1  }
0xb: {  	s5 =	sadd.s32 s26, s2;
	s17 =	sadd.s32 $0x89400, s17;
	s25 =	simm.s32 $0x1  }
0xc: {  	s26 =	simm.s32 $0x8;
	s6 =	sshrl.u32 s4, $0x3;
	s4 =	sadd.s32 $0x3000, s0  }
0xd: {  	s29 =	sshrl.u32 s7, $0x3;
	s15 =	ssub.s32 s8, s30;
	s7 =	sadd.s32 $0x4000, s5  }
0xe: {  	s8 =	sadd.s32 $0x6000, s5;
	s9 =	sadd.s32 $0x8000, s5;
	s10 =	sadd.s32 $0xA000, s5  }
0xf: {  	s11 =	sadd.s32 $0xC000, s5;
	s18 =	sadd.s32 s6, s0;
	s0 =	sadd.s32 s29, s0  }
0x10: {  	s12 =	sadd.s32 $0xE000, s5;
	s6 =	sadd.s32 $0x2000, s5;
	s31 =	sadd.s32 $0x129400, s0  }
0x11: {  	s15 =	smax.u32 s15, $0x1;
	s0 =	sadd.s32 $0x129404, s0;
	[dreg:$0x3] =	wrdreg s31  }
0x12: {  	v0 =	vimm.f32 $0.0e+00;
	s16 =	sadd.s32 $0xA9400, s18;
	s18 =	sadd.s32 $0xE9400, s18;
	[dreg:$0x4] =	wrdreg s0  }
.LBB2_1:
0x13: {  	s29 =	simm.s32 $0x40;
	s0 =	simm.s32 $0x0  }
.LBB2_2:
0x14: {  	p0 =	sne.s32 s29, $0x7FC0;
	[tilespmem:s0+$0x10000] =	vst v0;
	s0 =	smov.u32 s29;
	s29 =	sadd.s32 $0x40, s29  }
.Ltmp0:
0x15: {  	(pc) =	sbr.rel @p0 .LBB2_2-.Ltmp0, $2  }
0x16: {  	_ =	sdelay $0x2  }
0x17: {  	s0 =	sshra.s32 s0, $0x2  }
0x18: {  	[tilespmem:s0+$0x10000] =	vst v0  }
0x19: {  	[spmem:s5] =	stream.linear.scatter [tilespmem:s19], [sflag:$0x2], $0x2000, $0x38;
	[tilespmem:$0x1B000] =	vst v63  }
0x1a: {  	_ =	swait.ge [sflag:s20], $0x2000  }
0x1b: {  	[sflag:s20] =	ssyncset.done $0x0  }
0x1c: {  	[sflag:s20] =	ssyncadd.s32 $0xFFFFE000  }
0x1d: {  	[spmem:s6] =	stream.linear.scatter [tilespmem:s19], [sflag:$0x2], $0x2000, $0x38;
	[tilespmem:$0x1B000] =	vst v63  }
0x1e: {  	_ =	swait.ge [sflag:s20], $0x2000  }
0x1f: {  	[sflag:s20] =	ssyncset.done $0x0  }
0x20: {  	[sflag:s20] =	ssyncadd.s32 $0xFFFFE000  }
0x21: {  	[spmem:s7] =	stream.linear.scatter [tilespmem:s19], [sflag:$0x2], $0x2000, $0x38;
	[tilespmem:$0x1B000] =	vst v63  }
0x22: {  	_ =	swait.ge [sflag:s20], $0x2000  }
0x23: {  	[sflag:s20] =	ssyncset.done $0x0  }
0x24: {  	[sflag:s20] =	ssyncadd.s32 $0xFFFFE000  }
0x25: {  	[spmem:s8] =	stream.linear.scatter [tilespmem:s19], [sflag:$0x2], $0x2000, $0x38;
	[tilespmem:$0x1B000] =	vst v63  }
0x26: {  	_ =	swait.ge [sflag:s20], $0x2000  }
0x27: {  	[sflag:s20] =	ssyncset.done $0x0  }
0x28: {  	[sflag:s20] =	ssyncadd.s32 $0xFFFFE000  }
0x29: {  	[spmem:s9] =	stream.linear.scatter [tilespmem:s19], [sflag:$0x2], $0x2000, $0x38;
	[tilespmem:$0x1B000] =	vst v63  }
0x2a: {  	_ =	swait.ge [sflag:s20], $0x2000  }
0x2b: {  	[sflag:s20] =	ssyncset.done $0x0  }
0x2c: {  	[sflag:s20] =	ssyncadd.s32 $0xFFFFE000  }
0x2d: {  	[spmem:s10] =	stream.linear.scatter [tilespmem:s19], [sflag:$0x2], $0x2000, $0x38;
	[tilespmem:$0x1B000] =	vst v63  }
0x2e: {  	_ =	swait.ge [sflag:s20], $0x2000  }
0x2f: {  	[sflag:s20] =	ssyncset.done $0x0  }
0x30: {  	[sflag:s20] =	ssyncadd.s32 $0xFFFFE000  }
0x31: {  	[spmem:s11] =	stream.linear.scatter [tilespmem:s19], [sflag:$0x2], $0x2000, $0x38;
	[tilespmem:$0x1B000] =	vst v63  }
0x32: {  	_ =	swait.ge [sflag:s20], $0x2000  }
0x33: {  	[sflag:s20] =	ssyncset.done $0x0  }
0x34: {  	[sflag:s20] =	ssyncadd.s32 $0xFFFFE000  }
0x35: {  	[spmem:s12] =	stream.linear.scatter [tilespmem:s19], [sflag:$0x2], $0x2000, $0x38;
	[tilespmem:$0x1B000] =	vst v63  }
0x36: {  	_ =	swait.ge [sflag:s20], $0x2000  }
0x37: {  	[sflag:s20] =	ssyncset.done $0x0  }
0x38: {  	[sflag:s20] =	ssyncadd.s32 $0xFFFFE000  }
0x39: {  	s14 =	sadd.s32 $0x0, s16;
	[bflag:$0x0] =	sbarrier.arrive $0xFFFF  }
0x3a: {  	[tilespmem:s21], [sflag:$0x2] =	stream.linear.gather [hbm4b:s14+s3], $0x800, $0x38;
	[tilespmem:$0x1B000] =	vst v63  }
0x3b: {  	_ =	swait.ge [sflag:s20], $0x800  }
0x3c: {  	[sflag:s20] =	ssyncset.done $0x0  }
0x3d: {  	s31 =	sadd.s32 $0x0, s17;
	[sflag:s20] =	ssyncadd.s32 $0xFFFFF800  }
0x3e: {  	[tilespmem:s22], [sflag:$0x2] =	stream.linear.gather [hbm4b:s31+s3], $0x800, $0x38;
	[tilespmem:$0x1B000] =	vst v63  }
0x3f: {  	_ =	swait.ge [sflag:s20], $0x800  }
0x40: {  	[sflag:s20] =	ssyncset.done $0x0  }
0x41: {  	[sflag:s20] =	ssyncadd.s32 $0xFFFFF800  }
0x42: {  	[tilespmem:s24], [sflag:$0x1] =	stream.indirect.gather [hbm4b:s4+s23], $0x10, s21, s23, $0xb8;
	[tilespmem:$0x1B000] =	vst v63  }
0x43: {  	_ =	swait.ge [sflag:s25], $0x8000  }
0x44: {  	[sflag:s25] =	ssyncset.done $0x0  }
0x45: {  	[sflag:s25] =	ssyncadd.s32 $0xFFFF8000  }
0x46: {  	[spmem:s2] =	stream.indirect.scatter.add.f32 [tilespmem:s24], [sflag:$0x2], $0x10, s22, s23, $0xb8;
	[tilespmem:$0x1B000] =	vst v63  }
0x47: {  	_ =	swait.ge [sflag:s20], $0x8000  }
0x48: {  	s29 =	simm.s32 $0x100;
	s30 =	simm.s32 $0x200;
	[sflag:s20] =	ssyncset.done $0x0  }
.LBB2_4:
0x49: {  	s0 =	sadd.s32 s29, s16  }
0x4a: {  	[sflag:s20] =	ssyncadd.s32 $0xFFFF8000;
	s31 =	smov.u32 s30;
	s1 =	sadd.s32 $0x100, s30  }
0x4b: {  	[tilespmem:s21], [sflag:$0x2] =	stream.linear.gather [hbm4b:s0+s3], $0x800, $0x38;
	[tilespmem:$0x1B000] =	vst v63  }
0x4c: {  	p0 =	sne.s32 s30, $0x1F00;
	_ =	swait.ge [sflag:s20], $0x800  }
0x4d: {  	[sflag:s20] =	ssyncset.done $0x0  }
0x4e: {  	s0 =	sadd.s32 s29, s17;
	s29 =	smov.u32 s31;
	[sflag:s20] =	ssyncadd.s32 $0xFFFFF800  }
0x4f: {  	[tilespmem:s22], [sflag:$0x2] =	stream.linear.gather [hbm4b:s0+s3], $0x800, $0x38;
	[tilespmem:$0x1B000] =	vst v63  }
0x50: {  	_ =	swait.ge [sflag:s20], $0x800  }
0x51: {  	[sflag:s20] =	ssyncset.done $0x0  }
0x52: {  	[sflag:s20] =	ssyncadd.s32 $0xFFFFF800  }
0x53: {  	[tilespmem:s24], [sflag:$0x1] =	stream.indirect.gather [hbm4b:s4+s23], $0x10, s21, s23, $0xb8;
	[tilespmem:$0x1B000] =	vst v63  }
0x54: {  	_ =	swait.ge [sflag:s25], $0x8000  }
.Ltmp1:
0x55: {  	[sflag:s25] =	ssyncset.done $0x0;
	(pc) =	sbr.rel @p0 .LBB2_4-.Ltmp1, $4  }
0x56: {  	[sflag:s25] =	ssyncadd.s32 $0xFFFF8000  }
0x57: {  	[spmem:s2] =	stream.indirect.scatter.add.f32 [tilespmem:s24], [sflag:$0x2], $0x10, s22, s23, $0xb8;
	[tilespmem:$0x1B000] =	vst v63  }
0x58: {  	_ =	swait.ge [sflag:s20], $0x8000  }
0x59: {  	s30 =	smov.u32 s1;
	[sflag:s20] =	ssyncset.done $0x0  }
0x5a: {  	s0 =	sadd.s32 s29, s16;
	[sflag:s20] =	ssyncadd.s32 $0xFFFF8000  }
0x5b: {  	[tilespmem:s21], [sflag:$0x2] =	stream.linear.gather [hbm4b:s0+s3], $0x800, $0x38;
	[tilespmem:$0x1B000] =	vst v63  }
0x5c: {  	_ =	swait.ge [sflag:s20], $0x800  }
0x5d: {  	[sflag:s20] =	ssyncset.done $0x0  }
0x5e: {  	s13 =	sadd.s32 s29, s17;
	[sflag:s20] =	ssyncadd.s32 $0xFFFFF800  }
0x5f: {  	[tilespmem:s22], [sflag:$0x2] =	stream.linear.gather [hbm4b:s13+s3], $0x800, $0x38;
	[tilespmem:$0x1B000] =	vst v63  }
0x60: {  	_ =	swait.ge [sflag:s20], $0x800  }
0x61: {  	[sflag:s20] =	ssyncset.done $0x0  }
0x62: {  	[sflag:s20] =	ssyncadd.s32 $0xFFFFF800  }
0x63: {  	[tilespmem:s24], [sflag:$0x1] =	stream.indirect.gather [hbm4b:s4+s23], $0x10, s21, s23, $0xb8;
	[tilespmem:$0x1B000] =	vst v63  }
0x64: {  	_ =	swait.ge [sflag:s25], $0x8000  }
0x65: {  	[sflag:s25] =	ssyncset.done $0x0  }
0x66: {  	[sflag:s25] =	ssyncadd.s32 $0xFFFF8000  }
0x67: {  	[spmem:s2] =	stream.indirect.scatter.add.f32 [tilespmem:s24], [sflag:$0x2], $0x10, s22, s23, $0xb8;
	[tilespmem:$0x1B000] =	vst v63  }
0x68: {  	_ =	swait.ge [sflag:s20], $0x8000  }
0x69: {  	[sflag:s20] =	ssyncset.done $0x0  }
0x6a: {  	s14 =	stileid.u32;
	[sflag:s20] =	ssyncadd.s32 $0xFFFF8000  }
0x6b: {  	s0 =	sshll.u32 s14, $0x6;
	[bflag:$0x0] =	sbarrier.arrive $0xFFFF  }
0x6c: {  	s30 =	sshrl.u32 s5, $0x3;
	s29 =	sor.u32 $0x1C02, s0;
	s1 =	rddreg [dreg:$0x3]  }
0x6d: {  	[hbm:s1@s26], [sflag:s29] =	dma.strided [spmem:s30@s20], $0x2000, s25, $0x2   }
0x6e: {  	_ =	swait.ge [sflag:s20], $0x2000  }
0x6f: {  	[sflag:s20] =	ssyncset.done $0x0  }
0x70: {  	[sflag:s20] =	ssyncadd.s32 $0xFFFFE000  }
0x71: {  	[bflag:$0x0] =	sbarrier.arrive $0xFFFF  }
0x72: {  	[spmem:s5] =	stream.linear.scatter [tilespmem:s19], [sflag:$0x2], $0x2000, $0x38;
	[tilespmem:$0x1B000] =	vst v63  }
0x73: {  	_ =	swait.ge [sflag:s20], $0x2000  }
0x74: {  	[sflag:s20] =	ssyncset.done $0x0  }
0x75: {  	[sflag:s20] =	ssyncadd.s32 $0xFFFFE000  }
0x76: {  	[spmem:s6] =	stream.linear.scatter [tilespmem:s19], [sflag:$0x2], $0x2000, $0x38;
	[tilespmem:$0x1B000] =	vst v63  }
0x77: {  	_ =	swait.ge [sflag:s20], $0x2000  }
0x78: {  	[sflag:s20] =	ssyncset.done $0x0  }
0x79: {  	[sflag:s20] =	ssyncadd.s32 $0xFFFFE000  }
0x7a: {  	[spmem:s7] =	stream.linear.scatter [tilespmem:s19], [sflag:$0x2], $0x2000, $0x38;
	[tilespmem:$0x1B000] =	vst v63  }
0x7b: {  	_ =	swait.ge [sflag:s20], $0x2000  }
0x7c: {  	[sflag:s20] =	ssyncset.done $0x0  }
0x7d: {  	[sflag:s20] =	ssyncadd.s32 $0xFFFFE000  }
0x7e: {  	[spmem:s8] =	stream.linear.scatter [tilespmem:s19], [sflag:$0x2], $0x2000, $0x38;
	[tilespmem:$0x1B000] =	vst v63  }
0x7f: {  	_ =	swait.ge [sflag:s20], $0x2000  }
0x80: {  	[sflag:s20] =	ssyncset.done $0x0  }
0x81: {  	[sflag:s20] =	ssyncadd.s32 $0xFFFFE000  }
0x82: {  	[spmem:s9] =	stream.linear.scatter [tilespmem:s19], [sflag:$0x2], $0x2000, $0x38;
	[tilespmem:$0x1B000] =	vst v63  }
0x83: {  	_ =	swait.ge [sflag:s20], $0x2000  }
0x84: {  	[sflag:s20] =	ssyncset.done $0x0  }
0x85: {  	[sflag:s20] =	ssyncadd.s32 $0xFFFFE000  }
0x86: {  	[spmem:s10] =	stream.linear.scatter [tilespmem:s19], [sflag:$0x2], $0x2000, $0x38;
	[tilespmem:$0x1B000] =	vst v63  }
0x87: {  	_ =	swait.ge [sflag:s20], $0x2000  }
0x88: {  	[sflag:s20] =	ssyncset.done $0x0  }
0x89: {  	[sflag:s20] =	ssyncadd.s32 $0xFFFFE000  }
0x8a: {  	[spmem:s11] =	stream.linear.scatter [tilespmem:s19], [sflag:$0x2], $0x2000, $0x38;
	[tilespmem:$0x1B000] =	vst v63  }
0x8b: {  	_ =	swait.ge [sflag:s20], $0x2000  }
0x8c: {  	[sflag:s20] =	ssyncset.done $0x0  }
0x8d: {  	[sflag:s20] =	ssyncadd.s32 $0xFFFFE000  }
0x8e: {  	[spmem:s12] =	stream.linear.scatter [tilespmem:s19], [sflag:$0x2], $0x2000, $0x38;
	[tilespmem:$0x1B000] =	vst v63  }
0x8f: {  	_ =	swait.ge [sflag:s20], $0x2000  }
0x90: {  	[sflag:s20] =	ssyncset.done $0x0  }
0x91: {  	[sflag:s20] =	ssyncadd.s32 $0xFFFFE000  }
0x92: {  	s13 =	sadd.s32 $0x0, s18;
	[bflag:$0x0] =	sbarrier.arrive $0xFFFF  }
0x93: {  	[tilespmem:s21], [sflag:$0x2] =	stream.linear.gather [hbm4b:s13+s3], $0x800, $0x38;
	[tilespmem:$0x1B000] =	vst v63  }
0x94: {  	_ =	swait.ge [sflag:s20], $0x800  }
0x95: {  	[sflag:s20] =	ssyncset.done $0x0  }
0x96: {  	s14 =	sadd.s32 $0x0, s17;
	[sflag:s20] =	ssyncadd.s32 $0xFFFFF800  }
0x97: {  	[tilespmem:s22], [sflag:$0x2] =	stream.linear.gather [hbm4b:s14+s3], $0x800, $0x38;
	[tilespmem:$0x1B000] =	vst v63  }
0x98: {  	_ =	swait.ge [sflag:s20], $0x800  }
0x99: {  	[sflag:s20] =	ssyncset.done $0x0  }
0x9a: {  	[sflag:s20] =	ssyncadd.s32 $0xFFFFF800  }
0x9b: {  	[tilespmem:s24], [sflag:$0x1] =	stream.indirect.gather [hbm4b:s4+s23], $0x10, s21, s23, $0xb8;
	[tilespmem:$0x1B000] =	vst v63  }
0x9c: {  	_ =	swait.ge [sflag:s25], $0x8000  }
0x9d: {  	[sflag:s25] =	ssyncset.done $0x0  }
0x9e: {  	[sflag:s25] =	ssyncadd.s32 $0xFFFF8000  }
0x9f: {  	[spmem:s2] =	stream.indirect.scatter.add.f32 [tilespmem:s24], [sflag:$0x2], $0x10, s22, s23, $0xb8;
	[tilespmem:$0x1B000] =	vst v63  }
0xa0: {  	_ =	swait.ge [sflag:s20], $0x8000  }
0xa1: {  	s31 =	simm.s32 $0x100;
	s0 =	simm.s32 $0x200;
	[sflag:s20] =	ssyncset.done $0x0  }
.LBB2_6:
0xa2: {  	s1 =	sadd.s32 s31, s18  }
0xa3: {  	[sflag:s20] =	ssyncadd.s32 $0xFFFF8000;
	s13 =	smov.u32 s0;
	s14 =	sadd.s32 $0x100, s0  }
0xa4: {  	[tilespmem:s21], [sflag:$0x2] =	stream.linear.gather [hbm4b:s1+s3], $0x800, $0x38;
	[tilespmem:$0x1B000] =	vst v63  }
0xa5: {  	p0 =	sne.s32 s0, $0x1F00;
	_ =	swait.ge [sflag:s20], $0x800  }
0xa6: {  	[sflag:s20] =	ssyncset.done $0x0  }
0xa7: {  	s0 =	sadd.s32 s31, s17;
	s31 =	smov.u32 s13;
	[sflag:s20] =	ssyncadd.s32 $0xFFFFF800  }
0xa8: {  	[tilespmem:s22], [sflag:$0x2] =	stream.linear.gather [hbm4b:s0+s3], $0x800, $0x38;
	[tilespmem:$0x1B000] =	vst v63  }
0xa9: {  	_ =	swait.ge [sflag:s20], $0x800  }
0xaa: {  	[sflag:s20] =	ssyncset.done $0x0  }
0xab: {  	[sflag:s20] =	ssyncadd.s32 $0xFFFFF800  }
0xac: {  	[tilespmem:s24], [sflag:$0x1] =	stream.indirect.gather [hbm4b:s4+s23], $0x10, s21, s23, $0xb8;
	[tilespmem:$0x1B000] =	vst v63  }
0xad: {  	_ =	swait.ge [sflag:s25], $0x8000  }
.Ltmp2:
0xae: {  	[sflag:s25] =	ssyncset.done $0x0;
	(pc) =	sbr.rel @p0 .LBB2_6-.Ltmp2, $4  }
0xaf: {  	[sflag:s25] =	ssyncadd.s32 $0xFFFF8000  }
0xb0: {  	[spmem:s2] =	stream.indirect.scatter.add.f32 [tilespmem:s24], [sflag:$0x2], $0x10, s22, s23, $0xb8;
	[tilespmem:$0x1B000] =	vst v63  }
0xb1: {  	_ =	swait.ge [sflag:s20], $0x8000  }
0xb2: {  	s0 =	smov.u32 s14;
	[sflag:s20] =	ssyncset.done $0x0  }
0xb3: {  	s0 =	sadd.s32 s31, s18;
	[sflag:s20] =	ssyncadd.s32 $0xFFFF8000  }
0xb4: {  	[tilespmem:s21], [sflag:$0x2] =	stream.linear.gather [hbm4b:s0+s3], $0x800, $0x38;
	[tilespmem:$0x1B000] =	vst v63  }
0xb5: {  	_ =	swait.ge [sflag:s20], $0x800  }
0xb6: {  	[sflag:s20] =	ssyncset.done $0x0  }
0xb7: {  	s14 =	sadd.s32 s31, s17;
	[sflag:s20] =	ssyncadd.s32 $0xFFFFF800  }
0xb8: {  	[tilespmem:s22], [sflag:$0x2] =	stream.linear.gather [hbm4b:s14+s3], $0x800, $0x38;
	[tilespmem:$0x1B000] =	vst v63  }
0xb9: {  	_ =	swait.ge [sflag:s20], $0x800  }
0xba: {  	[sflag:s20] =	ssyncset.done $0x0  }
0xbb: {  	[sflag:s20] =	ssyncadd.s32 $0xFFFFF800  }
0xbc: {  	[tilespmem:s24], [sflag:$0x1] =	stream.indirect.gather [hbm4b:s4+s23], $0x10, s21, s23, $0xb8;
	[tilespmem:$0x1B000] =	vst v63  }
0xbd: {  	_ =	swait.ge [sflag:s25], $0x8000  }
0xbe: {  	[sflag:s25] =	ssyncset.done $0x0  }
0xbf: {  	[sflag:s25] =	ssyncadd.s32 $0xFFFF8000  }
0xc0: {  	[spmem:s2] =	stream.indirect.scatter.add.f32 [tilespmem:s24], [sflag:$0x2], $0x10, s22, s23, $0xb8;
	[tilespmem:$0x1B000] =	vst v63  }
0xc1: {  	_ =	swait.ge [sflag:s20], $0x8000  }
0xc2: {  	[sflag:s20] =	ssyncset.done $0x0  }
0xc3: {  	[sflag:s20] =	ssyncadd.s32 $0xFFFF8000  }
0xc4: {  	s28 =	sadd.s32 $0x1, s28;
	[bflag:$0x0] =	sbarrier.arrive $0xFFFF  }
0xc5: {  	p0 =	sne.s32 s28, s15;
	s31 =	rddreg [dreg:$0x4]  }
0xc6: {  	[hbm:s31@s26], [sflag:s29] =	dma.strided [spmem:s30@s20], $0x2000, s25, $0x2   }
.Ltmp3:
0xc7: {  	_ =	swait.ge [sflag:s20], $0x2000;
	(pc) =	sbr.rel @p0 .LBB2_1-.Ltmp3, $3  }
0xc8: {  	[sflag:s20] =	ssyncset.done $0x0  }
0xc9: {  	[sflag:s20] =	ssyncadd.s32 $0xFFFFE000  }
0xca: {  	[bflag:$0x0] =	sbarrier.arrive $0xFFFF;
	_ =	sdelay $0x1  }
0xcb: {  	_ =	sfence.sel $0x180000  }
0xcc: {  	[bflag:$0x0] =	sbarrier.arrive $0xFFFF  }
0xcd: {  	_ =	strace $0x9000004D  }
0xce: {  	s0 =	stileid.u32;
	[bflag:$0x2] =	sbarrier.arrive $0xFFFF  }
0xcf: {  	p0 =	sne.s32 s0, $0x0;
	s0 =	rddreg [dreg:$0x2]  }
0xd0: {  	s0 =	sadd.s32 @!p0 $0x100000, s0  }
0xd1: {  	[sflag:s0] =	ssyncadd.tile.s32 @!p0 $0x1;
	_ =	shalt  }
.Lfunc_end2:
_tile_overlayer_lowered:
.L_overlay_start_2:
0xd2: {  	(tag) =	ssettag $0x2  }
0xd3: {  	s0 =	rddreg [dreg:$0x0];
	s2 =	stileid.u32  }
0xd4: {  	s1 =	rddreg [dreg:$0x1];
	p0 =	sne.s32 s2, $0x0  }
0xd5: {  	s3 =	rddreg [dreg:$0x2];
	[bflag:$0x3] =	sbarrier.arrive $0xFFFF;
	s2 =	simm.s32 @!p0 $0x1C02  }
0xd6: {  	[timem:s3], [sflag:s2] =	dma.local @!p0 [hbm:s0], s1  }
0xd7: {  	s0 =	simm.s32 @!p0 $0x2  }
0xd8: {  	_ =	swait.ge @!p0 [sflag:s0], s1  }
0xd9: {  	s1 =	ssub.s32 @!p0 $0x0, s1;
	[sflag:s0] =	ssyncset.done @!p0 $0x0  }
0xda: {  	[sflag:s0] =	ssyncadd.s32 @!p0 s1  }
0xdb: {  	[bflag:$0x3] =	sbarrier.arrive $0xFFFF  }
0xdc: {  	_ =	shalt  }

// kernel: kernel.7.cloned.1.call-start
scs
__scs_entry_jumppad:
0x0: {  	(pc) =	sbr.rel $0x88, $3  }
0x1: {  	(tag) =	ssettag $0x0;
	lr =	simm.s32 $0x1  }
0x2: {  	[smem:$0x3F90] =	sst lr;
	_ =	strace $0xD0000000  }
0x3: {  	_ = 	snop  }
0x4: {  	_ = 	snop  }
0x5: {  	_ = 	snop  }
0x6: {  	_ = 	snop  }
0x7: {  	_ = 	snop  }
__scs_overlays_trampoline_lowered:
0x8: {  	[smem:$0x3F9F] =	sst s0  }
0x9: {  	[smem:$0x3FA0] =	sst s1  }
0xa: {  	[smem:$0x3FA1] =	sst s2  }
0xb: {  	[smem:$0x3FA2] =	sst s3  }
0xc: {  	[smem:$0x3FA3] =	sst s4  }
0xd: {  	[smem:$0x3FA4] =	sst s5  }
0xe: {  	[smem:$0x3FA5] =	sst s6  }
0xf: {  	[smem:$0x3FA6] =	sst s7  }
0x10: {  	[smem:$0x3FA7] =	sst s8  }
0x11: {  	[smem:$0x3FA8] =	sst s9;
	s0 =	simm.s32 @!p0 $0x0  }
0x12: {  	s1 =	sld [smem:$0x3F8E];
	s0 =	simm.s32 @p0 $0x1  }
0x13: {  	[smem:$0x3FA9] =	sst s0;
	s0 =	simm.s32 @!p1 $0x0  }
0x14: {  	s2 =	sld [smem:$0x3F8D];
	s0 =	simm.s32 @p1 $0x1  }
0x15: {  	[smem:$0x3FAA] =	sst s0;
	s0 =	simm.s32 @!p2 $0x0  }
0x16: {  	s3 =	sld [smem:$0x3FDB];
	s0 =	simm.s32 @p2 $0x1  }
0x17: {  	s4 =	simm.s32 $0x1BF5;
	[smem:$0x3FAC] =	sst s0  }
0x18: {  	s0 =	sld [smem:$0x3F8F];
	_ =	swait.ge [sflag:s4], $0x0  }
0x19: {  	s7 =	sld [smem:$0x3F90]  }
0x1a: {  	s8 =	sadd.s32 $0xFFFFE003, lr  }
0x1b: {  	s9 =	sadd.s32 $0xFFFFFEF7, lr;
	s5 =	simm.s32 $0xFFFFFFFF;
	p2 =	slt.u32 s8, $0xFFFFF086  }
0x1c: {  	p1 =	slt.u32 s9, $0xF7A;
	s5 =	simm.s32 @!p2 $0x0  }
0x1d: {  	s5 =	simm.s32 @p1 $0x1;
	p0 =	seq.s32 s7, s2  }
0x1e: {  	s7 =	smul.u32 @!p0 $0xF7A, s2;
	p2 =	seq.s32 @!p0 s5, $0x0  }
0x1f: {  	s9 =	smul.u32 $0xF7A, s1;
	s8 =	simm.s32 @!p0 $0x1BF5;
	p2 =	por !p2, p0  }
0x20: {  	[sflag:s8] =	ssyncset.s32 @!p0 $0xFFFFF086;
	s6 =	sadd.s32 @!p0 s3, s7;
	s7 =	simm.s32 @!p0 $0x108  }
0x21: {  	s3 =	sadd.s32 s3, s9;
	s6 =	sadd.s32 @!p0 $0x88, s6;
	s7 =	simm.s32 @p2 $0x1082  }
0x22: {  	[simem:s7], [sflag:s8] =	dma.local @!p0 [hbm:s6], $0xF7A  }
0x23: {  	s9 =	sor.u32 $0xD0000000, s2;
	s6 =	simm.s32 $0x108;
	_ =	swait.ge @!p0 [sflag:s8], $0x0  }
0x24: {  	s3 =	sadd.s32 $0x88, s3;
	s6 =	simm.s32 @!p1 $0x1082;
	[sflag:s4] =	ssyncset.s32 $0xFFFFF086  }
0x25: {  	[simem:s6], [sflag:s4] =	dma.local [hbm:s3], $0xF7A  }
0x26: {  	[smem:$0x3F90] =	sst s1;
	(tag) =	ssettag s2;
	_ =	strace s9  }
0x27: {  	s1 =	sld [smem:$0x3FA0]  }
0x28: {  	s2 =	sld [smem:$0x3FA1]  }
0x29: {  	s4 =	sld [smem:$0x3FA3]  }
0x2a: {  	p0 =	seq.s32 s5, $0x0;
	s5 =	sld [smem:$0x3FA4]  }
0x2b: {  	s6 =	sld [smem:$0x3FA5]  }
0x2c: {  	s7 =	sld [smem:$0x3FA6]  }
0x2d: {  	s3 =	simm.s32 $0x108;
	s8 =	sld [smem:$0x3FA7]  }
0x2e: {  	s3 =	simm.s32 @!p0 $0x1082;
	s9 =	sld [smem:$0x3FA8]  }
0x2f: {  	lr =	sadd.s32 s0, s3;
	s0 =	sld [smem:$0x3F9F]  }
0x30: {  	s3 =	sld [smem:$0x3FA2]  }
0x31: {  	[smem:$0x3FAB] =	sst s10  }
0x32: {  	s10 =	sld [smem:$0x3FA9];
	_ =	sdelay $0x3  }
0x33: {  	p0 =	seq.s32 s10, $0x1;
	s10 =	sld [smem:$0x3FAB];
	_ =	sdelay $0x3  }
0x34: {  	[smem:$0x3FAB] =	sst s10  }
0x35: {  	s10 =	sld [smem:$0x3FAA];
	_ =	sdelay $0x3  }
0x36: {  	p1 =	seq.s32 s10, $0x1;
	s10 =	sld [smem:$0x3FAB];
	_ =	sdelay $0x3  }
0x37: {  	[smem:$0x3FAB] =	sst s10  }
0x38: {  	s10 =	sld [smem:$0x3FAC]  }
0x39: {  	_ = 	snop;
	(pc) =	sbr.ind lr, $3  }
0x3a: {  	_ = 	snop  }
0x3b: {  	_ = 	snop  }
0x3c: {  	p2 =	seq.s32 s10, $0x1;
	s10 =	sld [smem:$0x3FAB]  }
0x3d: {  	_ =	shalt  }
0x3e: {  	_ =	shalt  }
0x3f: {  	_ =	shalt  }
0x40: {  	_ =	shalt  }
0x41: {  	_ =	shalt  }
0x42: {  	_ =	shalt  }
0x43: {  	_ =	shalt  }
0x44: {  	_ =	shalt  }
0x45: {  	_ =	shalt  }
0x46: {  	_ =	shalt  }
0x47: {  	_ =	shalt  }
0x48: {  	_ =	shalt  }
0x49: {  	_ =	shalt  }
0x4a: {  	_ =	shalt  }
0x4b: {  	_ =	shalt  }
0x4c: {  	_ =	shalt  }
0x4d: {  	_ =	shalt  }
0x4e: {  	_ =	shalt  }
0x4f: {  	_ =	shalt  }
0x50: {  	_ =	shalt  }
0x51: {  	_ =	shalt  }
0x52: {  	_ =	shalt  }
0x53: {  	_ =	shalt  }
0x54: {  	_ =	shalt  }
0x55: {  	_ =	shalt  }
0x56: {  	_ =	shalt  }
0x57: {  	_ =	shalt  }
0x58: {  	_ =	shalt  }
0x59: {  	_ =	shalt  }
0x5a: {  	_ =	shalt  }
0x5b: {  	_ =	shalt  }
0x5c: {  	_ =	shalt  }
0x5d: {  	_ =	shalt  }
0x5e: {  	_ =	shalt  }
0x5f: {  	_ =	shalt  }
0x60: {  	_ =	shalt  }
0x61: {  	_ =	shalt  }
0x62: {  	_ =	shalt  }
0x63: {  	_ =	shalt  }
0x64: {  	_ =	shalt  }
0x65: {  	_ =	shalt  }
0x66: {  	_ =	shalt  }
0x67: {  	_ =	shalt  }
0x68: {  	_ =	shalt  }
0x69: {  	_ =	shalt  }
0x6a: {  	_ =	shalt  }
0x6b: {  	_ =	shalt  }
0x6c: {  	_ =	shalt  }
0x6d: {  	_ =	shalt  }
0x6e: {  	_ =	shalt  }
0x6f: {  	_ =	shalt  }
0x70: {  	_ =	shalt  }
0x71: {  	_ =	shalt  }
0x72: {  	_ =	shalt  }
0x73: {  	_ =	shalt  }
0x74: {  	_ =	shalt  }
0x75: {  	_ =	shalt  }
0x76: {  	_ =	shalt  }
0x77: {  	_ =	shalt  }
0x78: {  	_ =	shalt  }
0x79: {  	_ =	shalt  }
0x7a: {  	_ =	shalt  }
0x7b: {  	_ =	shalt  }
0x7c: {  	_ =	shalt  }
0x7d: {  	_ =	shalt  }
0x7e: {  	_ =	shalt  }
0x7f: {  	_ =	shalt  }
0x80: {  	_ =	shalt  }
0x81: {  	_ =	shalt  }
0x82: {  	_ =	shalt  }
0x83: {  	_ =	shalt  }
0x84: {  	_ =	shalt  }
0x85: {  	_ =	shalt  }
0x86: {  	_ =	shalt  }
0x87: {  	_ =	shalt  }
.Lfunc_end0:
.L_simem_size_0:
called_computation_lowered:
.L_overlay_start_0:
0x88: {  	s2 =	sld [smem:$0x3FD9]  }
0x89: {  	s3 =	sld [smem:$0x3FFE];
	_ =	sdelay $0x1  }
0x8a: {  	s1 =	srdreg.scid  }
0x8b: {  	s0 =	sand.u32 $0x1, s1  }
0x8c: {  	s17 =	sshll.u32 s0, $0xA;
	s2 =	sadd.s32 s3, s2  }
0x8d: {  	s2 =	sadd.s32 s2, s17  }
0x8e: {  	[smem:$0x3FB7] =	sst s2  }
0x8f: {  	_ = 	snop  }
0x90: {  	s2 =	sld [smem:$0x3FD0];
	(tm) =	ssettm $0x1  }
0x91: {  	s18 =	sld [smem:$0x3FFB];
	_ =	sdelay $0x3  }
0x92: {  	_ =	strace s18  }
0x93: {  	s3 =	sld [smem:$0x3FFC];
	_ =	sdelay $0x3  }
0x94: {  	_ =	strace s3  }
0x95: {  	s3 =	sld [smem:$0x3FFD];
	_ =	sdelay $0x3  }
0x96: {  	_ =	strace s3  }
0x97: {  	_ =	strace $0x8FFFFFFF  }
0x98: {  	s19 =	sld [smem:$0x3FDB];
	_ =	sdelay $0x1  }
0x99: {  	s4 =	simm.s32 $_scs_section_size  }
0x9a: {  	s5 =	simm.s32 $_size__tile_overlayer_lowered;
	s6 =	simm.s32 $_tile_overlayer_lowered  }
0x9b: {  	s22 =	simm.s32 $0x1BFF;
	s21 =	sshll.u32 s6, $0x1;
	s3 =	sadd.s32 s4, s19  }
0x9c: {  	s7 =	simm.s32 $0x0;
	s20 =	sshll.u32 s5, $0x1;
	s5 =	sadd.s32 s21, s3  }
0x9d: {  	[timem:s7], [sflag:s22] =	dma.local [hbm:s5], s20  }
0x9e: {  	_ =	swait.ge [sflag:s22], s20  }
0x9f: {  	s4 =	ssub.s32 $0x0, s20;
	[sflag:s22] =	ssyncset.done $0x0  }
0xa0: {  	[sflag:s22] =	ssyncadd.s32 s4;
	_ =	sdelay $0x1  }
0xa1: {  	s23 =	simm.s32 $0x1B8B  }
0xa2: {  	_ =	swait.ge [sflag:s23], $0x1  }
0xa3: {  	[sflag:s23] =	ssyncset.done $0x0  }
0xa4: {  	s25 =	simm.s32 $0x1B8E;
	s24 =	sld [smem:$0x3FFE];
	[sflag:s23] =	ssyncadd.s32 $0xFFFFFFFF  }
0xa5: {  	s26 =	simm.s32 $execute0_lowered;
	[smem:$0x3FD2] =	sst s25  }
0xa6: {  	s5 =	sshll.u32 s26, $0x1;
	_ =	strace $0x80000046;
	[dreg:$0x1] =	wrdreg $0xFFFFFFFF  }
0xa7: {  	s28 =	simm.s32 $_size_execute0_lowered;
	s3 =	sadd.s32 s3, s5;
	[dreg:$0x0] =	wrdreg $0x0  }
0xa8: {  	s5 =	sshll.u32 s28, $0x1;
	[dreg:$0x2] =	wrdreg s3  }
0xa9: {  	[dreg:$0x3] =	wrdreg s5  }
0xaa: {  	[dreg:$0x4] =	wrdreg $0xC0  }
0xab: {  	_ =	task [dreg:s7], $0x5FFFF  }
0xac: {  	[dreg:$0x1] =	wrdreg $0xFFFFFFFF  }
0xad: {  	[dreg:$0x0] =	wrdreg $0x60  }
0xae: {  	[dreg:$0x2] =	wrdreg s24  }
0xaf: {  	[dreg:$0x3] =	wrdreg s2  }
0xb0: {  	[dreg:$0x4] =	wrdreg $0x9  }
0xb1: {  	_ =	task.clear_ibuf [dreg:s7], $0x5FFFF;
	_ =	strace $0x90000046  }
0xb2: {  	s29 =	simm.s32 $0x9;
	_ =	strace $0x80000048  }
0xb3: {  	_ =	swait.ge [sflag:s29], $0x1  }
0xb4: {  	[sflag:s29] =	ssyncadd.s32 $0xFFFFFFFF  }
0xb5: {  	_ =	strace $0x90000048  }
0xb6: {  	_ =	sfence  }
0xb7: {  	s30 =	sld [smem:$0x0];
	_ =	sdelay $0x2  }
0xb8: {  	s31 =	sshll.u32 s1, $0xD;
	s1 =	sshrl.u32 s1, $0x2  }
0xb9: {  	s3 =	sand.u32 $0x4000, s31;
	s1 =	sadd.s32 s1, s30  }
0xba: {  	s0 =	sor.u32 s3, s0;
	s1 =	sshll.u32 s1, $0x11  }
0xbb: {  	s0 =	sor.u32 s1, s0  }
0xbc: {  	s0 =	sadd.s32 $0x8F2B, s0  }
0xbd: {  	[sflag:s0] =	ssyncadd.remote.s32 $0x1  }
0xbe: {  	_ =	sfence.sel $0xFFFF  }
0xbf: {  	[dreg:$0x0] =	wrdreg $0xFFFFFFFF;
	(pc) =	sbr.abs _section_cstart, $3  }
0xc0: {  	[dreg:$0x1] =	wrdreg $0xFFFFFFFF  }
0xc1: {  	_ =	task.clear_ibuf [dreg:s7], $0x2FFFF;
	_ =	strace $0x9FFFFFFF  }
0xc2: {  	(tm) =	ssettm $0x7FFFFFFF  }
0xc3: {  	_ =	shalt  }
tec
execute0_lowered:
.L_overlay_start_1:
0x0: {  	(tag) =	ssettag $0x1  }
0x1: {  	s1 =	srdreg.scid  }
0x2: {  	s8 =	rddreg [dreg:$0x0];
	s0 =	stileid.u32;
	s10 =	sand.u32 $0x1, s1  }
0x3: {  	s9 =	rddreg [dreg:$0x1];
	s3 =	sshll.u32 s0, $0xC;
	s4 =	sshll.u32 s10, $0xB  }
0x4: {  	s2 =	simm.s32 $0x0;
	s1 =	rddreg [dreg:$0x2];
	s11 =	sor.u32 s4, s3  }
0x5: {  	[smem:$0x7FF] =	sst s2;
	s3 =	sshrl.u32 s11, $0x3  }
0x6: {  	_ =	strace $0x80000047;
	s4 =	sadd.s32 s9, s3;
	s3 =	simm.s32 $0x2  }
0x7: {  	[tilespmem:s2], [sflag:$0x2] =	stream.linear.gather [hbm4b:s4+s2], $0x400, $0x38;
	[tilespmem:$0x10400] =	vst v63  }
0x8: {  	_ =	swait.ge [sflag:s3], $0x400  }
0x9: {  	s6 =	simm.s32 $0x400;
	[sflag:s3] =	ssyncset.done $0x0  }
0xa: {  	s7 =	simm.s32 $0x1;
	s5 =	sadd.s32 $0x3000, s8;
	[sflag:s3] =	ssyncadd.s32 $0xFFFFFC00  }
0xb: {  	[tilespmem:s6], [sflag:$0x1] =	stream.indirect.gather [hbm4b:s5+s6], $0x40, s2, s6, $0xb8;
	[tilespmem:$0x10400] =	vst v63  }
0xc: {  	_ =	swait.ge [sflag:s7], $0x10000  }
0xd: {  	s12 =	sadd.s32 $0x9400, s8;
	s28 =	sshll.u32 s11, $0x3;
	[sflag:s7] =	ssyncset.done $0x0  }
0xe: {  	s8 =	sadd.s32 s12, s28;
	[sflag:s7] =	ssyncadd.s32 $0xFFFF0000  }
0xf: {  	[hbm4b:s8+s2] =	stream.linear.scatter [tilespmem:s6], [sflag:$0x2], $0x10000, $0x38;
	[tilespmem:$0x10400] =	vst v63  }
0x10: {  	s11 =	sor.u32 $0x400, s11;
	_ =	swait.ge [sflag:s3], $0x10000  }
0x11: {  	s13 =	sshrl.u32 s11, $0x3;
	[sflag:s3] =	ssyncset.done $0x0  }
0x12: {  	s10 =	ssub.s32 $0x2, s10;
	s9 =	sadd.s32 s9, s13;
	[sflag:s3] =	ssyncadd.s32 $0xFFFF0000  }
0x13: {  	[tilespmem:s2], [sflag:$0x2] =	stream.linear.gather [hbm4b:s9+s2], $0x400, $0x38;
	[tilespmem:$0x10400] =	vst v63  }
0x14: {  	s29 =	sshrl.u32 s10, $0x1;
	_ =	swait.ge [sflag:s3], $0x400  }
0x15: {  	s13 =	ssub.s32 s10, s29;
	[sflag:s3] =	ssyncset.done $0x0  }
0x16: {  	s31 =	smax.u32 s13, $0x1;
	[sflag:s3] =	ssyncadd.s32 $0xFFFFFC00  }
0x17: {  	[tilespmem:s6], [sflag:$0x1] =	stream.indirect.gather [hbm4b:s5+s6], $0x40, s2, s6, $0xb8;
	[tilespmem:$0x10400] =	vst v63  }
0x18: {  	p0 =	sne.s32 s31, $0x1;
	_ =	swait.ge [sflag:s7], $0x10000  }
.Ltmp0:
0x19: {  	s30 =	sshll.u32 s11, $0x3;
	[sflag:s7] =	ssyncset.done $0x0;
	(pc) =	sbr.rel @!p0 .LBB2_2-.Ltmp0, $4  }
0x1a: {  	s10 =	sadd.s32 s12, s30;
	[sflag:s7] =	ssyncadd.s32 $0xFFFF0000  }
0x1b: {  	[hbm4b:s10+s2] =	stream.linear.scatter [tilespmem:s6], [sflag:$0x2], $0x10000, $0x38;
	[tilespmem:$0x10400] =	vst v63  }
0x1c: {  	_ =	swait.ge [sflag:s3], $0x10000  }
0x1d: {  	s11 =	sadd.s32 $0xFFFFFFFF, s31;
	[sflag:s3] =	ssyncset.done $0x0  }
.LBB2_1:
0x1e: {  	p0 =	sne.s32 s11, $0x1;
	s11 =	sadd.s32 $0xFFFFFFFF, s11;
	[sflag:s3] =	ssyncadd.s32 $0xFFFF0000  }
0x1f: {  	[tilespmem:s2], [sflag:$0x2] =	stream.linear.gather [hbm4b:s4+s2], $0x400, $0x38;
	[tilespmem:$0x10400] =	vst v63  }
0x20: {  	_ =	swait.ge [sflag:s3], $0x400  }
0x21: {  	[sflag:s3] =	ssyncset.done $0x0  }
0x22: {  	[sflag:s3] =	ssyncadd.s32 $0xFFFFFC00  }
0x23: {  	[tilespmem:s6], [sflag:$0x1] =	stream.indirect.gather [hbm4b:s5+s6], $0x40, s2, s6, $0xb8;
	[tilespmem:$0x10400] =	vst v63  }
0x24: {  	_ =	swait.ge [sflag:s7], $0x10000  }
0x25: {  	[sflag:s7] =	ssyncset.done $0x0  }
0x26: {  	[sflag:s7] =	ssyncadd.s32 $0xFFFF0000  }
0x27: {  	[hbm4b:s8+s2] =	stream.linear.scatter [tilespmem:s6], [sflag:$0x2], $0x10000, $0x38;
	[tilespmem:$0x10400] =	vst v63  }
0x28: {  	_ =	swait.ge [sflag:s3], $0x10000  }
0x29: {  	[sflag:s3] =	ssyncset.done $0x0  }
0x2a: {  	[sflag:s3] =	ssyncadd.s32 $0xFFFF0000  }
0x2b: {  	[tilespmem:s2], [sflag:$0x2] =	stream.linear.gather [hbm4b:s9+s2], $0x400, $0x38;
	[tilespmem:$0x10400] =	vst v63  }
0x2c: {  	_ =	swait.ge [sflag:s3], $0x400  }
0x2d: {  	[sflag:s3] =	ssyncset.done $0x0  }
0x2e: {  	[sflag:s3] =	ssyncadd.s32 $0xFFFFFC00  }
0x2f: {  	[tilespmem:s6], [sflag:$0x1] =	stream.indirect.gather [hbm4b:s5+s6], $0x40, s2, s6, $0xb8;
	[tilespmem:$0x10400] =	vst v63  }
0x30: {  	_ =	swait.ge [sflag:s7], $0x10000  }
.Ltmp1:
0x31: {  	[sflag:s7] =	ssyncset.done $0x0;
	(pc) =	sbr.rel @p0 .LBB2_1-.Ltmp1, $4  }
0x32: {  	[sflag:s7] =	ssyncadd.s32 $0xFFFF0000  }
0x33: {  	[hbm4b:s10+s2] =	stream.linear.scatter [tilespmem:s6], [sflag:$0x2], $0x10000, $0x38;
	[tilespmem:$0x10400] =	vst v63  }
0x34: {  	_ =	swait.ge [sflag:s3], $0x10000  }
0x35: {  	[sflag:s3] =	ssyncset.done $0x0  }
.LBB2_2:
0x36: {  	[sflag:s3] =	ssyncadd.s32 $0xFFFF0000  }
0x37: {  	_ =	sfence.sel $0x180000  }
0x38: {  	[bflag:$0x0] =	sbarrier.arrive $0xFFFF  }
0x39: {  	p0 =	sne.s32 s0, $0x0;
	_ =	strace $0x90000047  }
0x3a: {  	s0 =	sadd.s32 @!p0 $0x100000, s1;
	[bflag:$0x2] =	sbarrier.arrive $0xFFFF  }
0x3b: {  	[sflag:s0] =	ssyncadd.tile.s32 @!p0 $0x1;
	_ =	shalt  }
.Lfunc_end2:
_tile_overlayer_lowered:
.L_overlay_start_2:
0x3c: {  	(tag) =	ssettag $0x2  }
0x3d: {  	s0 =	rddreg [dreg:$0x0];
	s2 =	stileid.u32  }
0x3e: {  	s1 =	rddreg [dreg:$0x1];
	p0 =	sne.s32 s2, $0x0  }
0x3f: {  	s3 =	rddreg [dreg:$0x2];
	[bflag:$0x3] =	sbarrier.arrive $0xFFFF;
	s2 =	simm.s32 @!p0 $0x1C02  }
0x40: {  	[timem:s3], [sflag:s2] =	dma.local @!p0 [hbm:s0], s1  }
0x41: {  	s0 =	simm.s32 @!p0 $0x2  }
0x42: {  	_ =	swait.ge @!p0 [sflag:s0], s1  }
0x43: {  	s1 =	ssub.s32 @!p0 $0x0, s1;
	[sflag:s0] =	ssyncset.done @!p0 $0x0  }
0x44: {  	[sflag:s0] =	ssyncadd.s32 @!p0 s1  }
0x45: {  	[bflag:$0x3] =	sbarrier.arrive $0xFFFF  }
0x46: {  	_ =	shalt  }

</sc_bundles>
